<compile_context>
chip_gen: v7x
topology: tpu7x:2x2x1
jax: 0.10.2.dev20260603
libtpu: 0.0.44.dev20260713+nightly
codegen_flags: <defaults>
</compile_context>

<pallas_src>
import functools

import jax
import jax.numpy as jnp
from jax import lax
from jax.experimental import pallas as pl
from jax.experimental.pallas import tpu as pltpu
from jax.experimental.pallas import tpu_sc as plsc

_INFO = plsc.get_sparse_core_info()
_NC = _INFO.num_cores
_NS = _INFO.num_subcores
_NW = _NC * _NS

_IW = 128
_G = 2
_NBUF = 4
_VB = 2048


def _tc_convert(table_t):
    embed, vocab = table_t.shape
    grid = (vocab + _VB - 1) // _VB

    def body(in_ref, out_ref):
        out_ref[...] = in_ref[...].T

    return pl.pallas_call(
        body,
        grid=(grid,),
        in_specs=[pl.BlockSpec((embed, _VB), lambda i: (0, i))],
        out_specs=pl.BlockSpec((_VB, embed), lambda i: (i, 0)),
        out_shape=jax.ShapeDtypeStruct((vocab, embed), jnp.float32),
    )(table_t)


def _gather_impl(table, idx2d, n_rows, embed):
    n_per_w = n_rows // _NW
    iw_per_w = n_per_w // _IW
    blk = _G * _IW
    n_blocks = n_per_w // blk
    assert n_blocks % _NBUF == 0 and n_blocks * blk == n_per_w

    mesh = plsc.VectorSubcoreMesh(core_axis_name="c", subcore_axis_name="s")

    @functools.partial(
        pl.kernel,
        mesh=mesh,
        compiler_params=pltpu.CompilerParams(use_tc_tiling_on_sc=False),
        out_type=jax.ShapeDtypeStruct((n_rows, embed), jnp.float32),
        scratch_types=[
            pltpu.VMEM((iw_per_w, _IW), jnp.int32),
            *([pltpu.VMEM((blk, embed), jnp.float32)] * _NBUF),
            *([pltpu.SemaphoreType.DMA] * (2 * _NBUF)),
        ],
    )
    def k(table_hbm, idx_hbm, out_hbm, idx_all, *bufs_and_sems):
        rows = bufs_and_sems[:_NBUF]
        sem_g = bufs_and_sems[_NBUF:2 * _NBUF]
        sem_o = bufs_and_sems[2 * _NBUF:]
        wid = lax.axis_index("s") * _NC + lax.axis_index("c")
        row_base = wid * n_per_w

        pltpu.sync_copy(
            idx_hbm.at[pl.ds(pl.multiple_of(wid * iw_per_w, 8), iw_per_w)],
            idx_all,
        )

        def fire_gathers(i, b):
            for t in range(_G):
                pltpu.async_copy(
                    table_hbm.at[idx_all.at[i * _G + t]],
                    rows[b].at[pl.ds(t * _IW, _IW)],
                    sem_g[b],
                )

        def drain_gathers(b):
            pltpu.make_async_copy(
                out_hbm.at[pl.ds(0, blk)], rows[b], sem_g[b]
            ).wait()

        def fire_store(i, b):
            row_off = pl.multiple_of(row_base + i * blk, 8)
            pltpu.async_copy(rows[b], out_hbm.at[pl.ds(row_off, blk)], sem_o[b])

        def drain_store(b):
            pltpu.make_async_copy(
                out_hbm.at[pl.ds(0, blk)], rows[b], sem_o[b]
            ).wait()

        def outer(jj, carry):
            for u in range(_NBUF):
                i = jj * _NBUF + u
                b = u

                @pl.when(jj > 0)
                def _():
                    drain_store(b)

                fire_gathers(i, b)

                b2 = (u - 2) % _NBUF
                if u >= 2:
                    drain_gathers(b2)
                    fire_store(i - 2, b2)
                else:
                    @pl.when(jj > 0)
                    def _():
                        drain_gathers(b2)
                        fire_store(i - 2, b2)
            return carry

        lax.fori_loop(0, n_blocks // _NBUF, outer, 0)

        for i in (n_blocks - 2, n_blocks - 1):
            b = i % _NBUF
            drain_gathers(b)
            fire_store(i, b)
        for b in range(_NBUF):
            drain_store(b)

    return k(table, idx2d)


def kernel(words, feats, table):
    batch, seq = words.shape
    vocab, embed = table.shape
    n_rows = batch * seq
    idx2d = words.reshape(n_rows // _IW, _IW)
    out = _gather_impl(_tc_convert(table.T), idx2d, n_rows, embed)
    return out.reshape(batch, seq, embed)

# --- scband reference (transcript-rebuilt; emitter-appended) ---
"""Pipeline reference for scband-encoder-30734785970293 (READ-ONLY COPY).

The authoritative reference and input builder live on the scoring server;
editing this copy changes nothing except your own understanding.
"""

import jax, jax.numpy as jnp
import numpy as np

VOCAB = 1000000
EMBED = 64
BATCH = 4096
SEQ = 200


def setup_inputs(seed: int = 0) -> dict:
    key = jax.random.key(seed)
    k1, k2 = jax.random.split(key)
    words = jax.random.randint(k1, (BATCH, SEQ), 0, VOCAB, dtype=jnp.int32)
    # feats list is empty in this configuration; represent as a zero-length int array
    feats = jnp.zeros((0,), dtype=jnp.int32)
    # learned parameter: the main embedding table (nn.Embedding(vocab_size, embed_size))
    table = jax.random.normal(k2, (VOCAB, EMBED), dtype=jnp.float32)
    return {"words": words, "feats": feats, "table": table}


def reference(words, feats, table):
    # Encoder.forward with pretrained=None, feats=[], context=None:
    #   embeds = self._embed(words)            -> gather from embedding table
    #   (no feature embeddings, so no FFN)      -> identity
    #   embeds = self.context(embeds)           -> nn.Identity
    embeds = jnp.take(table, words, axis=0)
    return embeds

if __name__ == "__main__":
    import jax
    _d = setup_inputs()
    print(jax.jit(kernel)(*tuple(_d.values())))

</pallas_src>

<mosaic_0001>
#map = affine_map<(d0, d1) -> (0, 0)>
module attributes {stable_mosaic.version = 14 : i64} {
  func.func @k(%arg0: i32, %arg1: i32, %arg2: memref<1000000x64xf32, #tpu.memory_space<hbm>>, %arg3: memref<6400x128xi32, #tpu.memory_space<hbm>>, %arg4: memref<819200x64xf32, #tpu.memory_space<hbm>>, %arg5: memref<200x128xi32, #tpu.memory_space<vmem>>, %arg6: memref<256x64xf32, #tpu.memory_space<vmem>>, %arg7: memref<256x64xf32, #tpu.memory_space<vmem>>, %arg8: memref<256x64xf32, #tpu.memory_space<vmem>>, %arg9: memref<256x64xf32, #tpu.memory_space<vmem>>, %arg10: memref<!tpu.dma_semaphore, #tpu.memory_space<semaphore_mem>>, %arg11: memref<!tpu.dma_semaphore, #tpu.memory_space<semaphore_mem>>, %arg12: memref<!tpu.dma_semaphore, #tpu.memory_space<semaphore_mem>>, %arg13: memref<!tpu.dma_semaphore, #tpu.memory_space<semaphore_mem>>, %arg14: memref<!tpu.dma_semaphore, #tpu.memory_space<semaphore_mem>>, %arg15: memref<!tpu.dma_semaphore, #tpu.memory_space<semaphore_mem>>, %arg16: memref<!tpu.dma_semaphore, #tpu.memory_space<semaphore_mem>>, %arg17: memref<!tpu.dma_semaphore, #tpu.memory_space<semaphore_mem>>) attributes {dimension_semantics = [#tpu.dimension_semantics<core_parallel>, #tpu.dimension_semantics<subcore_parallel>], iteration_bounds = array<i64: 2, 16>, scalar_prefetch = 0 : i64, scratch_operands = 13 : i64, tpu.core_type = #tpu.core_type<sc_vector_subcore>, window_params = [{transform_indices = #map}, {transform_indices = #map}, {transform_indices = #map}]} {
    %mul3A = arith.constant 2 : i32
    %mul3A_0 = arith.muli %arg1, %mul3A : i32
    %add3A = arith.addi %mul3A_0, %arg0 : i32
    %mul3A_1 = arith.constant 25600 : i32
    %mul3A_2 = arith.muli %add3A, %mul3A_1 : i32
    %mul3A_3 = arith.constant 200 : i32
    %mul3A_4 = arith.muli %add3A, %mul3A_3 : i32
    %multiple_of3A = tpu.assume_multiple %mul3A_4, 8 : i32
    "tpu.region"() ({
      %run_scoped3A = tpu.sem_alloc : memref<!tpu.dma_semaphore, #tpu.memory_space<semaphore_mem>>
      %dma_start3A_58 = arith.constant 0 : i32
      %dma_start3A_59 = tpu.memref_slice %arg3[%multiple_of3A, %dma_start3A_58] : memref<6400x128xi32, #tpu.memory_space<hbm>> -> memref<200x128xi32, #tpu.memory_space<hbm>>
      %dma_start3A_60 = arith.constant 0 : i32
      %dma_start3A_61 = tpu.memref_slice %arg3[%multiple_of3A, %dma_start3A_60] : memref<6400x128xi32, #tpu.memory_space<hbm>> -> memref<200x128xi32, #tpu.memory_space<hbm>>
      tpu.enqueue_dma source(%dma_start3A_61 : memref<200x128xi32, #tpu.memory_space<hbm>>) target(%arg5 : memref<200x128xi32, #tpu.memory_space<vmem>>) target_semaphore(%run_scoped3A : memref<!tpu.dma_semaphore, #tpu.memory_space<semaphore_mem>>)
      %dma_wait3A_62 = arith.constant 0 : i32
      %dma_wait3A_63 = tpu.memref_slice %arg3[%multiple_of3A, %dma_wait3A_62] : memref<6400x128xi32, #tpu.memory_space<hbm>> -> memref<200x128xi32, #tpu.memory_space<hbm>>
      %dma_wait3A_64 = arith.constant 0 : i32
      %dma_wait3A_65 = tpu.memref_slice %arg3[%multiple_of3A, %dma_wait3A_64] : memref<6400x128xi32, #tpu.memory_space<hbm>> -> memref<200x128xi32, #tpu.memory_space<hbm>>
      tpu.wait_dma2 semaphore(%run_scoped3A : memref<!tpu.dma_semaphore, #tpu.memory_space<semaphore_mem>>) src(%dma_wait3A_65 : memref<200x128xi32, #tpu.memory_space<hbm>>) dst(%arg5 : memref<200x128xi32, #tpu.memory_space<vmem>>)
      tpu.yield
    }) : () -> ()
    %scan3A = arith.constant 0 : i32
    %scan3A_5 = arith.constant 0 : i32
    %scan3A_6 = arith.constant 25 : i32
    %scan3A_7 = arith.addi %scan3A_5, %scan3A_6 : i32
    %scan3A_8 = arith.constant 1 : i32
    scf.for %scan3A_58 = %scan3A_5 to %scan3A_7 step %scan3A_8  : i32 {
      %mul3A_59 = arith.constant 4 : i32
      %mul3A_60 = arith.muli %scan3A_58, %mul3A_59 : i32
      %add3A_61 = arith.constant 0 : i32
      %add3A_62 = arith.addi %mul3A_60, %add3A_61 : i32
      %gt3A = arith.constant 0 : i32
      %gt3A_63 = arith.cmpi sgt, %scan3A_58, %gt3A : i32
      %convert_element_type3A = arith.extui %gt3A_63 : i1 to i32
      %cond3A = arith.constant 0 : i32
      %cond3A_64 = arith.cmpi ne, %convert_element_type3A, %cond3A : i32
      scf.if %cond3A_64 {
        %dma_wait3A_237 = arith.constant 0 : i32
        %dma_wait3A_238 = arith.constant 0 : i32
        %dma_wait3A_239 = tpu.memref_slice %arg4[%dma_wait3A_237, %dma_wait3A_238] : memref<819200x64xf32, #tpu.memory_space<hbm>> -> memref<256x64xf32, #tpu.memory_space<hbm>>
        %dma_wait3A_240 = arith.constant 0 : i32
        %dma_wait3A_241 = arith.constant 0 : i32
        %dma_wait3A_242 = tpu.memref_slice %arg4[%dma_wait3A_240, %dma_wait3A_241] : memref<819200x64xf32, #tpu.memory_space<hbm>> -> memref<256x64xf32, #tpu.memory_space<hbm>>
        tpu.wait_dma2 semaphore(%arg14 : memref<!tpu.dma_semaphore, #tpu.memory_space<semaphore_mem>>) src(%dma_wait3A_242 : memref<256x64xf32, #tpu.memory_space<hbm>>) dst(%arg6 : memref<256x64xf32, #tpu.memory_space<vmem>>)
      } else {
      }
      %mul3A_65 = arith.constant 2 : i32
      %mul3A_66 = arith.muli %add3A_62, %mul3A_65 : i32
      %add3A_67 = arith.constant 0 : i32
      %add3A_68 = arith.addi %mul3A_66, %add3A_67 : i32
      %dma_start3A_69 = arith.constant 0 : i32
      %dma_start3A_70 = arith.constant 0 : i32
      %dma_start3A_71 = tpu.memref_slice %arg6[%dma_start3A_69, %dma_start3A_70] : memref<256x64xf32, #tpu.memory_space<vmem>> -> memref<128x64xf32, #tpu.memory_space<vmem>>
      %dma_start3A_72 = arith.constant 0 : i32
      %dma_start3A_73 = tpu.memref_slice %arg5[%add3A_68, %dma_start3A_72] : memref<200x128xi32, #tpu.memory_space<vmem>> -> memref<1x128xi32, #tpu.memory_space<vmem>>
      %dma_start3A_74 = tpu.memref_squeeze %dma_start3A_73 : memref<1x128xi32, #tpu.memory_space<vmem>> -> memref<128xi32, #tpu.memory_space<vmem>>
      %dma_start3A_75 = arith.constant 0 : i32
      %dma_start3A_76 = arith.constant 0 : i32
      %dma_start3A_77 = tpu.memref_slice %arg2[%dma_start3A_75, %dma_start3A_76] : memref<1000000x64xf32, #tpu.memory_space<hbm>> -> memref<1000000x64xf32, #tpu.memory_space<hbm>>
      tpu.enqueue_indirect_dma source(%dma_start3A_77 : memref<1000000x64xf32, #tpu.memory_space<hbm>>) target(%dma_start3A_71 : memref<128x64xf32, #tpu.memory_space<vmem>>) offsets(%dma_start3A_74 : memref<128xi32, #tpu.memory_space<vmem>>) semaphore(%arg10 : memref<!tpu.dma_semaphore, #tpu.memory_space<semaphore_mem>>)
      %mul3A_78 = arith.constant 2 : i32
      %mul3A_79 = arith.muli %add3A_62, %mul3A_78 : i32
      %add3A_80 = arith.constant 1 : i32
      %add3A_81 = arith.addi %mul3A_79, %add3A_80 : i32
      %dma_start3A_82 = arith.constant 128 : i32
      %dma_start3A_83 = arith.constant 0 : i32
      %dma_start3A_84 = tpu.memref_slice %arg6[%dma_start3A_82, %dma_start3A_83] : memref<256x64xf32, #tpu.memory_space<vmem>> -> memref<128x64xf32, #tpu.memory_space<vmem>>
      %dma_start3A_85 = arith.constant 0 : i32
      %dma_start3A_86 = tpu.memref_slice %arg5[%add3A_81, %dma_start3A_85] : memref<200x128xi32, #tpu.memory_space<vmem>> -> memref<1x128xi32, #tpu.memory_space<vmem>>
      %dma_start3A_87 = tpu.memref_squeeze %dma_start3A_86 : memref<1x128xi32, #tpu.memory_space<vmem>> -> memref<128xi32, #tpu.memory_space<vmem>>
      %dma_start3A_88 = arith.constant 0 : i32
      %dma_start3A_89 = arith.constant 0 : i32
      %dma_start3A_90 = tpu.memref_slice %arg2[%dma_start3A_88, %dma_start3A_89] : memref<1000000x64xf32, #tpu.memory_space<hbm>> -> memref<1000000x64xf32, #tpu.memory_space<hbm>>
      tpu.enqueue_indirect_dma source(%dma_start3A_90 : memref<1000000x64xf32, #tpu.memory_space<hbm>>) target(%dma_start3A_84 : memref<128x64xf32, #tpu.memory_space<vmem>>) offsets(%dma_start3A_87 : memref<128xi32, #tpu.memory_space<vmem>>) semaphore(%arg10 : memref<!tpu.dma_semaphore, #tpu.memory_space<semaphore_mem>>)
      %gt3A_91 = arith.constant 0 : i32
      %gt3A_92 = arith.cmpi sgt, %scan3A_58, %gt3A_91 : i32
      %convert_element_type3A_93 = arith.extui %gt3A_92 : i1 to i32
      %cond3A_94 = arith.constant 0 : i32
      %cond3A_95 = arith.cmpi ne, %convert_element_type3A_93, %cond3A_94 : i32
      scf.if %cond3A_95 {
        %dma_wait3A_237 = arith.constant 0 : i32
        %dma_wait3A_238 = arith.constant 0 : i32
        %dma_wait3A_239 = tpu.memref_slice %arg4[%dma_wait3A_237, %dma_wait3A_238] : memref<819200x64xf32, #tpu.memory_space<hbm>> -> memref<256x64xf32, #tpu.memory_space<hbm>>
        %dma_wait3A_240 = arith.constant 0 : i32
        %dma_wait3A_241 = arith.constant 0 : i32
        %dma_wait3A_242 = tpu.memref_slice %arg4[%dma_wait3A_240, %dma_wait3A_241] : memref<819200x64xf32, #tpu.memory_space<hbm>> -> memref<256x64xf32, #tpu.memory_space<hbm>>
        tpu.wait_dma2 semaphore(%arg12 : memref<!tpu.dma_semaphore, #tpu.memory_space<semaphore_mem>>) src(%dma_wait3A_242 : memref<256x64xf32, #tpu.memory_space<hbm>>) dst(%arg8 : memref<256x64xf32, #tpu.memory_space<vmem>>)
        %sub3A_243 = arith.constant 2 : i32
        %sub3A_244 = arith.subi %add3A_62, %sub3A_243 : i32
        %mul3A_245 = arith.constant 256 : i32
        %mul3A_246 = arith.muli %sub3A_244, %mul3A_245 : i32
        %add3A_247 = arith.addi %mul3A_2, %mul3A_246 : i32
        %multiple_of3A_248 = tpu.assume_multiple %add3A_247, 8 : i32
        %dma_start3A_249 = arith.constant 0 : i32
        %dma_start3A_250 = tpu.memref_slice %arg4[%multiple_of3A_248, %dma_start3A_249] : memref<819200x64xf32, #tpu.memory_space<hbm>> -> memref<256x64xf32, #tpu.memory_space<hbm>>
        %dma_start3A_251 = arith.constant 0 : i32
        %dma_start3A_252 = tpu.memref_slice %arg4[%multiple_of3A_248, %dma_start3A_251] : memref<819200x64xf32, #tpu.memory_space<hbm>> -> memref<256x64xf32, #tpu.memory_space<hbm>>
        tpu.enqueue_dma source(%arg8 : memref<256x64xf32, #tpu.memory_space<vmem>>) target(%dma_start3A_252 : memref<256x64xf32, #tpu.memory_space<hbm>>) target_semaphore(%arg16 : memref<!tpu.dma_semaphore, #tpu.memory_space<semaphore_mem>>)
      } else {
      }
      %mul3A_96 = arith.constant 4 : i32
      %mul3A_97 = arith.muli %scan3A_58, %mul3A_96 : i32
      %add3A_98 = arith.constant 1 : i32
      %add3A_99 = arith.addi %mul3A_97, %add3A_98 : i32
      %gt3A_100 = arith.constant 0 : i32
      %gt3A_101 = arith.cmpi sgt, %scan3A_58, %gt3A_100 : i32
      %convert_element_type3A_102 = arith.extui %gt3A_101 : i1 to i32
      %cond3A_103 = arith.constant 0 : i32
      %cond3A_104 = arith.cmpi ne, %convert_element_type3A_102, %cond3A_103 : i32
      scf.if %cond3A_104 {
        %dma_wait3A_237 = arith.constant 0 : i32
        %dma_wait3A_238 = arith.constant 0 : i32
        %dma_wait3A_239 = tpu.memref_slice %arg4[%dma_wait3A_237, %dma_wait3A_238] : memref<819200x64xf32, #tpu.memory_space<hbm>> -> memref<256x64xf32, #tpu.memory_space<hbm>>
        %dma_wait3A_240 = arith.constant 0 : i32
        %dma_wait3A_241 = arith.constant 0 : i32
        %dma_wait3A_242 = tpu.memref_slice %arg4[%dma_wait3A_240, %dma_wait3A_241] : memref<819200x64xf32, #tpu.memory_space<hbm>> -> memref<256x64xf32, #tpu.memory_space<hbm>>
        tpu.wait_dma2 semaphore(%arg15 : memref<!tpu.dma_semaphore, #tpu.memory_space<semaphore_mem>>) src(%dma_wait3A_242 : memref<256x64xf32, #tpu.memory_space<hbm>>) dst(%arg7 : memref<256x64xf32, #tpu.memory_space<vmem>>)
      } else {
      }
      %mul3A_105 = arith.constant 2 : i32
      %mul3A_106 = arith.muli %add3A_99, %mul3A_105 : i32
      %add3A_107 = arith.constant 0 : i32
      %add3A_108 = arith.addi %mul3A_106, %add3A_107 : i32
      %dma_start3A_109 = arith.constant 0 : i32
      %dma_start3A_110 = arith.constant 0 : i32
      %dma_start3A_111 = tpu.memref_slice %arg7[%dma_start3A_109, %dma_start3A_110] : memref<256x64xf32, #tpu.memory_space<vmem>> -> memref<128x64xf32, #tpu.memory_space<vmem>>
      %dma_start3A_112 = arith.constant 0 : i32
      %dma_start3A_113 = tpu.memref_slice %arg5[%add3A_108, %dma_start3A_112] : memref<200x128xi32, #tpu.memory_space<vmem>> -> memref<1x128xi32, #tpu.memory_space<vmem>>
      %dma_start3A_114 = tpu.memref_squeeze %dma_start3A_113 : memref<1x128xi32, #tpu.memory_space<vmem>> -> memref<128xi32, #tpu.memory_space<vmem>>
      %dma_start3A_115 = arith.constant 0 : i32
      %dma_start3A_116 = arith.constant 0 : i32
      %dma_start3A_117 = tpu.memref_slice %arg2[%dma_start3A_115, %dma_start3A_116] : memref<1000000x64xf32, #tpu.memory_space<hbm>> -> memref<1000000x64xf32, #tpu.memory_space<hbm>>
      tpu.enqueue_indirect_dma source(%dma_start3A_117 : memref<1000000x64xf32, #tpu.memory_space<hbm>>) target(%dma_start3A_111 : memref<128x64xf32, #tpu.memory_space<vmem>>) offsets(%dma_start3A_114 : memref<128xi32, #tpu.memory_space<vmem>>) semaphore(%arg11 : memref<!tpu.dma_semaphore, #tpu.memory_space<semaphore_mem>>)
      %mul3A_118 = arith.constant 2 : i32
      %mul3A_119 = arith.muli %add3A_99, %mul3A_118 : i32
      %add3A_120 = arith.constant 1 : i32
      %add3A_121 = arith.addi %mul3A_119, %add3A_120 : i32
      %dma_start3A_122 = arith.constant 128 : i32
      %dma_start3A_123 = arith.constant 0 : i32
      %dma_start3A_124 = tpu.memref_slice %arg7[%dma_start3A_122, %dma_start3A_123] : memref<256x64xf32, #tpu.memory_space<vmem>> -> memref<128x64xf32, #tpu.memory_space<vmem>>
      %dma_start3A_125 = arith.constant 0 : i32
      %dma_start3A_126 = tpu.memref_slice %arg5[%add3A_121, %dma_start3A_125] : memref<200x128xi32, #tpu.memory_space<vmem>> -> memref<1x128xi32, #tpu.memory_space<vmem>>
      %dma_start3A_127 = tpu.memref_squeeze %dma_start3A_126 : memref<1x128xi32, #tpu.memory_space<vmem>> -> memref<128xi32, #tpu.memory_space<vmem>>
      %dma_start3A_128 = arith.constant 0 : i32
      %dma_start3A_129 = arith.constant 0 : i32
      %dma_start3A_130 = tpu.memref_slice %arg2[%dma_start3A_128, %dma_start3A_129] : memref<1000000x64xf32, #tpu.memory_space<hbm>> -> memref<1000000x64xf32, #tpu.memory_space<hbm>>
      tpu.enqueue_indirect_dma source(%dma_start3A_130 : memref<1000000x64xf32, #tpu.memory_space<hbm>>) target(%dma_start3A_124 : memref<128x64xf32, #tpu.memory_space<vmem>>) offsets(%dma_start3A_127 : memref<128xi32, #tpu.memory_space<vmem>>) semaphore(%arg11 : memref<!tpu.dma_semaphore, #tpu.memory_space<semaphore_mem>>)
      %gt3A_131 = arith.constant 0 : i32
      %gt3A_132 = arith.cmpi sgt, %scan3A_58, %gt3A_131 : i32
      %convert_element_type3A_133 = arith.extui %gt3A_132 : i1 to i32
      %cond3A_134 = arith.constant 0 : i32
      %cond3A_135 = arith.cmpi ne, %convert_element_type3A_133, %cond3A_134 : i32
      scf.if %cond3A_135 {
        %dma_wait3A_237 = arith.constant 0 : i32
        %dma_wait3A_238 = arith.constant 0 : i32
        %dma_wait3A_239 = tpu.memref_slice %arg4[%dma_wait3A_237, %dma_wait3A_238] : memref<819200x64xf32, #tpu.memory_space<hbm>> -> memref<256x64xf32, #tpu.memory_space<hbm>>
        %dma_wait3A_240 = arith.constant 0 : i32
        %dma_wait3A_241 = arith.constant 0 : i32
        %dma_wait3A_242 = tpu.memref_slice %arg4[%dma_wait3A_240, %dma_wait3A_241] : memref<819200x64xf32, #tpu.memory_space<hbm>> -> memref<256x64xf32, #tpu.memory_space<hbm>>
        tpu.wait_dma2 semaphore(%arg13 : memref<!tpu.dma_semaphore, #tpu.memory_space<semaphore_mem>>) src(%dma_wait3A_242 : memref<256x64xf32, #tpu.memory_space<hbm>>) dst(%arg9 : memref<256x64xf32, #tpu.memory_space<vmem>>)
        %sub3A_243 = arith.constant 2 : i32
        %sub3A_244 = arith.subi %add3A_99, %sub3A_243 : i32
        %mul3A_245 = arith.constant 256 : i32
        %mul3A_246 = arith.muli %sub3A_244, %mul3A_245 : i32
        %add3A_247 = arith.addi %mul3A_2, %mul3A_246 : i32
        %multiple_of3A_248 = tpu.assume_multiple %add3A_247, 8 : i32
        %dma_start3A_249 = arith.constant 0 : i32
        %dma_start3A_250 = tpu.memref_slice %arg4[%multiple_of3A_248, %dma_start3A_249] : memref<819200x64xf32, #tpu.memory_space<hbm>> -> memref<256x64xf32, #tpu.memory_space<hbm>>
        %dma_start3A_251 = arith.constant 0 : i32
        %dma_start3A_252 = tpu.memref_slice %arg4[%multiple_of3A_248, %dma_start3A_251] : memref<819200x64xf32, #tpu.memory_space<hbm>> -> memref<256x64xf32, #tpu.memory_space<hbm>>
        tpu.enqueue_dma source(%arg9 : memref<256x64xf32, #tpu.memory_space<vmem>>) target(%dma_start3A_252 : memref<256x64xf32, #tpu.memory_space<hbm>>) target_semaphore(%arg17 : memref<!tpu.dma_semaphore, #tpu.memory_space<semaphore_mem>>)
      } else {
      }
      %mul3A_136 = arith.constant 4 : i32
      %mul3A_137 = arith.muli %scan3A_58, %mul3A_136 : i32
      %add3A_138 = arith.constant 2 : i32
      %add3A_139 = arith.addi %mul3A_137, %add3A_138 : i32
      %gt3A_140 = arith.constant 0 : i32
      %gt3A_141 = arith.cmpi sgt, %scan3A_58, %gt3A_140 : i32
      %convert_element_type3A_142 = arith.extui %gt3A_141 : i1 to i32
      %cond3A_143 = arith.constant 0 : i32
      %cond3A_144 = arith.cmpi ne, %convert_element_type3A_142, %cond3A_143 : i32
      scf.if %cond3A_144 {
        %dma_wait3A_237 = arith.constant 0 : i32
        %dma_wait3A_238 = arith.constant 0 : i32
        %dma_wait3A_239 = tpu.memref_slice %arg4[%dma_wait3A_237, %dma_wait3A_238] : memref<819200x64xf32, #tpu.memory_space<hbm>> -> memref<256x64xf32, #tpu.memory_space<hbm>>
        %dma_wait3A_240 = arith.constant 0 : i32
        %dma_wait3A_241 = arith.constant 0 : i32
        %dma_wait3A_242 = tpu.memref_slice %arg4[%dma_wait3A_240, %dma_wait3A_241] : memref<819200x64xf32, #tpu.memory_space<hbm>> -> memref<256x64xf32, #tpu.memory_space<hbm>>
        tpu.wait_dma2 semaphore(%arg16 : memref<!tpu.dma_semaphore, #tpu.memory_space<semaphore_mem>>) src(%dma_wait3A_242 : memref<256x64xf32, #tpu.memory_space<hbm>>) dst(%arg8 : memref<256x64xf32, #tpu.memory_space<vmem>>)
      } else {
      }
      %mul3A_145 = arith.constant 2 : i32
      %mul3A_146 = arith.muli %add3A_139, %mul3A_145 : i32
      %add3A_147 = arith.constant 0 : i32
      %add3A_148 = arith.addi %mul3A_146, %add3A_147 : i32
      %dma_start3A_149 = arith.constant 0 : i32
      %dma_start3A_150 = arith.constant 0 : i32
      %dma_start3A_151 = tpu.memref_slice %arg8[%dma_start3A_149, %dma_start3A_150] : memref<256x64xf32, #tpu.memory_space<vmem>> -> memref<128x64xf32, #tpu.memory_space<vmem>>
      %dma_start3A_152 = arith.constant 0 : i32
      %dma_start3A_153 = tpu.memref_slice %arg5[%add3A_148, %dma_start3A_152] : memref<200x128xi32, #tpu.memory_space<vmem>> -> memref<1x128xi32, #tpu.memory_space<vmem>>
      %dma_start3A_154 = tpu.memref_squeeze %dma_start3A_153 : memref<1x128xi32, #tpu.memory_space<vmem>> -> memref<128xi32, #tpu.memory_space<vmem>>
      %dma_start3A_155 = arith.constant 0 : i32
      %dma_start3A_156 = arith.constant 0 : i32
      %dma_start3A_157 = tpu.memref_slice %arg2[%dma_start3A_155, %dma_start3A_156] : memref<1000000x64xf32, #tpu.memory_space<hbm>> -> memref<1000000x64xf32, #tpu.memory_space<hbm>>
      tpu.enqueue_indirect_dma source(%dma_start3A_157 : memref<1000000x64xf32, #tpu.memory_space<hbm>>) target(%dma_start3A_151 : memref<128x64xf32, #tpu.memory_space<vmem>>) offsets(%dma_start3A_154 : memref<128xi32, #tpu.memory_space<vmem>>) semaphore(%arg12 : memref<!tpu.dma_semaphore, #tpu.memory_space<semaphore_mem>>)
      %mul3A_158 = arith.constant 2 : i32
      %mul3A_159 = arith.muli %add3A_139, %mul3A_158 : i32
      %add3A_160 = arith.constant 1 : i32
      %add3A_161 = arith.addi %mul3A_159, %add3A_160 : i32
      %dma_start3A_162 = arith.constant 128 : i32
      %dma_start3A_163 = arith.constant 0 : i32
      %dma_start3A_164 = tpu.memref_slice %arg8[%dma_start3A_162, %dma_start3A_163] : memref<256x64xf32, #tpu.memory_space<vmem>> -> memref<128x64xf32, #tpu.memory_space<vmem>>
      %dma_start3A_165 = arith.constant 0 : i32
      %dma_start3A_166 = tpu.memref_slice %arg5[%add3A_161, %dma_start3A_165] : memref<200x128xi32, #tpu.memory_space<vmem>> -> memref<1x128xi32, #tpu.memory_space<vmem>>
      %dma_start3A_167 = tpu.memref_squeeze %dma_start3A_166 : memref<1x128xi32, #tpu.memory_space<vmem>> -> memref<128xi32, #tpu.memory_space<vmem>>
      %dma_start3A_168 = arith.constant 0 : i32
      %dma_start3A_169 = arith.constant 0 : i32
      %dma_start3A_170 = tpu.memref_slice %arg2[%dma_start3A_168, %dma_start3A_169] : memref<1000000x64xf32, #tpu.memory_space<hbm>> -> memref<1000000x64xf32, #tpu.memory_space<hbm>>
      tpu.enqueue_indirect_dma source(%dma_start3A_170 : memref<1000000x64xf32, #tpu.memory_space<hbm>>) target(%dma_start3A_164 : memref<128x64xf32, #tpu.memory_space<vmem>>) offsets(%dma_start3A_167 : memref<128xi32, #tpu.memory_space<vmem>>) semaphore(%arg12 : memref<!tpu.dma_semaphore, #tpu.memory_space<semaphore_mem>>)
      %dma_wait3A_171 = arith.constant 0 : i32
      %dma_wait3A_172 = arith.constant 0 : i32
      %dma_wait3A_173 = tpu.memref_slice %arg4[%dma_wait3A_171, %dma_wait3A_172] : memref<819200x64xf32, #tpu.memory_space<hbm>> -> memref<256x64xf32, #tpu.memory_space<hbm>>
      %dma_wait3A_174 = arith.constant 0 : i32
      %dma_wait3A_175 = arith.constant 0 : i32
      %dma_wait3A_176 = tpu.memref_slice %arg4[%dma_wait3A_174, %dma_wait3A_175] : memref<819200x64xf32, #tpu.memory_space<hbm>> -> memref<256x64xf32, #tpu.memory_space<hbm>>
      tpu.wait_dma2 semaphore(%arg10 : memref<!tpu.dma_semaphore, #tpu.memory_space<semaphore_mem>>) src(%dma_wait3A_176 : memref<256x64xf32, #tpu.memory_space<hbm>>) dst(%arg6 : memref<256x64xf32, #tpu.memory_space<vmem>>)
      %sub3A = arith.constant 2 : i32
      %sub3A_177 = arith.subi %add3A_139, %sub3A : i32
      %mul3A_178 = arith.constant 256 : i32
      %mul3A_179 = arith.muli %sub3A_177, %mul3A_178 : i32
      %add3A_180 = arith.addi %mul3A_2, %mul3A_179 : i32
      %multiple_of3A_181 = tpu.assume_multiple %add3A_180, 8 : i32
      %dma_start3A_182 = arith.constant 0 : i32
      %dma_start3A_183 = tpu.memref_slice %arg4[%multiple_of3A_181, %dma_start3A_182] : memref<819200x64xf32, #tpu.memory_space<hbm>> -> memref<256x64xf32, #tpu.memory_space<hbm>>
      %dma_start3A_184 = arith.constant 0 : i32
      %dma_start3A_185 = tpu.memref_slice %arg4[%multiple_of3A_181, %dma_start3A_184] : memref<819200x64xf32, #tpu.memory_space<hbm>> -> memref<256x64xf32, #tpu.memory_space<hbm>>
      tpu.enqueue_dma source(%arg6 : memref<256x64xf32, #tpu.memory_space<vmem>>) target(%dma_start3A_185 : memref<256x64xf32, #tpu.memory_space<hbm>>) target_semaphore(%arg14 : memref<!tpu.dma_semaphore, #tpu.memory_space<semaphore_mem>>)
      %mul3A_186 = arith.constant 4 : i32
      %mul3A_187 = arith.muli %scan3A_58, %mul3A_186 : i32
      %add3A_188 = arith.constant 3 : i32
      %add3A_189 = arith.addi %mul3A_187, %add3A_188 : i32
      %gt3A_190 = arith.constant 0 : i32
      %gt3A_191 = arith.cmpi sgt, %scan3A_58, %gt3A_190 : i32
      %convert_element_type3A_192 = arith.extui %gt3A_191 : i1 to i32
      %cond3A_193 = arith.constant 0 : i32
      %cond3A_194 = arith.cmpi ne, %convert_element_type3A_192, %cond3A_193 : i32
      scf.if %cond3A_194 {
        %dma_wait3A_237 = arith.constant 0 : i32
        %dma_wait3A_238 = arith.constant 0 : i32
        %dma_wait3A_239 = tpu.memref_slice %arg4[%dma_wait3A_237, %dma_wait3A_238] : memref<819200x64xf32, #tpu.memory_space<hbm>> -> memref<256x64xf32, #tpu.memory_space<hbm>>
        %dma_wait3A_240 = arith.constant 0 : i32
        %dma_wait3A_241 = arith.constant 0 : i32
        %dma_wait3A_242 = tpu.memref_slice %arg4[%dma_wait3A_240, %dma_wait3A_241] : memref<819200x64xf32, #tpu.memory_space<hbm>> -> memref<256x64xf32, #tpu.memory_space<hbm>>
        tpu.wait_dma2 semaphore(%arg17 : memref<!tpu.dma_semaphore, #tpu.memory_space<semaphore_mem>>) src(%dma_wait3A_242 : memref<256x64xf32, #tpu.memory_space<hbm>>) dst(%arg9 : memref<256x64xf32, #tpu.memory_space<vmem>>)
      } else {
      }
      %mul3A_195 = arith.constant 2 : i32
      %mul3A_196 = arith.muli %add3A_189, %mul3A_195 : i32
      %add3A_197 = arith.constant 0 : i32
      %add3A_198 = arith.addi %mul3A_196, %add3A_197 : i32
      %dma_start3A_199 = arith.constant 0 : i32
      %dma_start3A_200 = arith.constant 0 : i32
      %dma_start3A_201 = tpu.memref_slice %arg9[%dma_start3A_199, %dma_start3A_200] : memref<256x64xf32, #tpu.memory_space<vmem>> -> memref<128x64xf32, #tpu.memory_space<vmem>>
      %dma_start3A_202 = arith.constant 0 : i32
      %dma_start3A_203 = tpu.memref_slice %arg5[%add3A_198, %dma_start3A_202] : memref<200x128xi32, #tpu.memory_space<vmem>> -> memref<1x128xi32, #tpu.memory_space<vmem>>
      %dma_start3A_204 = tpu.memref_squeeze %dma_start3A_203 : memref<1x128xi32, #tpu.memory_space<vmem>> -> memref<128xi32, #tpu.memory_space<vmem>>
      %dma_start3A_205 = arith.constant 0 : i32
      %dma_start3A_206 = arith.constant 0 : i32
      %dma_start3A_207 = tpu.memref_slice %arg2[%dma_start3A_205, %dma_start3A_206] : memref<1000000x64xf32, #tpu.memory_space<hbm>> -> memref<1000000x64xf32, #tpu.memory_space<hbm>>
      tpu.enqueue_indirect_dma source(%dma_start3A_207 : memref<1000000x64xf32, #tpu.memory_space<hbm>>) target(%dma_start3A_201 : memref<128x64xf32, #tpu.memory_space<vmem>>) offsets(%dma_start3A_204 : memref<128xi32, #tpu.memory_space<vmem>>) semaphore(%arg13 : memref<!tpu.dma_semaphore, #tpu.memory_space<semaphore_mem>>)
      %mul3A_208 = arith.constant 2 : i32
      %mul3A_209 = arith.muli %add3A_189, %mul3A_208 : i32
      %add3A_210 = arith.constant 1 : i32
      %add3A_211 = arith.addi %mul3A_209, %add3A_210 : i32
      %dma_start3A_212 = arith.constant 128 : i32
      %dma_start3A_213 = arith.constant 0 : i32
      %dma_start3A_214 = tpu.memref_slice %arg9[%dma_start3A_212, %dma_start3A_213] : memref<256x64xf32, #tpu.memory_space<vmem>> -> memref<128x64xf32, #tpu.memory_space<vmem>>
      %dma_start3A_215 = arith.constant 0 : i32
      %dma_start3A_216 = tpu.memref_slice %arg5[%add3A_211, %dma_start3A_215] : memref<200x128xi32, #tpu.memory_space<vmem>> -> memref<1x128xi32, #tpu.memory_space<vmem>>
      %dma_start3A_217 = tpu.memref_squeeze %dma_start3A_216 : memref<1x128xi32, #tpu.memory_space<vmem>> -> memref<128xi32, #tpu.memory_space<vmem>>
      %dma_start3A_218 = arith.constant 0 : i32
      %dma_start3A_219 = arith.constant 0 : i32
      %dma_start3A_220 = tpu.memref_slice %arg2[%dma_start3A_218, %dma_start3A_219] : memref<1000000x64xf32, #tpu.memory_space<hbm>> -> memref<1000000x64xf32, #tpu.memory_space<hbm>>
      tpu.enqueue_indirect_dma source(%dma_start3A_220 : memref<1000000x64xf32, #tpu.memory_space<hbm>>) target(%dma_start3A_214 : memref<128x64xf32, #tpu.memory_space<vmem>>) offsets(%dma_start3A_217 : memref<128xi32, #tpu.memory_space<vmem>>) semaphore(%arg13 : memref<!tpu.dma_semaphore, #tpu.memory_space<semaphore_mem>>)
      %dma_wait3A_221 = arith.constant 0 : i32
      %dma_wait3A_222 = arith.constant 0 : i32
      %dma_wait3A_223 = tpu.memref_slice %arg4[%dma_wait3A_221, %dma_wait3A_222] : memref<819200x64xf32, #tpu.memory_space<hbm>> -> memref<256x64xf32, #tpu.memory_space<hbm>>
      %dma_wait3A_224 = arith.constant 0 : i32
      %dma_wait3A_225 = arith.constant 0 : i32
      %dma_wait3A_226 = tpu.memref_slice %arg4[%dma_wait3A_224, %dma_wait3A_225] : memref<819200x64xf32, #tpu.memory_space<hbm>> -> memref<256x64xf32, #tpu.memory_space<hbm>>
      tpu.wait_dma2 semaphore(%arg11 : memref<!tpu.dma_semaphore, #tpu.memory_space<semaphore_mem>>) src(%dma_wait3A_226 : memref<256x64xf32, #tpu.memory_space<hbm>>) dst(%arg7 : memref<256x64xf32, #tpu.memory_space<vmem>>)
      %sub3A_227 = arith.constant 2 : i32
      %sub3A_228 = arith.subi %add3A_189, %sub3A_227 : i32
      %mul3A_229 = arith.constant 256 : i32
      %mul3A_230 = arith.muli %sub3A_228, %mul3A_229 : i32
      %add3A_231 = arith.addi %mul3A_2, %mul3A_230 : i32
      %multiple_of3A_232 = tpu.assume_multiple %add3A_231, 8 : i32
      %dma_start3A_233 = arith.constant 0 : i32
      %dma_start3A_234 = tpu.memref_slice %arg4[%multiple_of3A_232, %dma_start3A_233] : memref<819200x64xf32, #tpu.memory_space<hbm>> -> memref<256x64xf32, #tpu.memory_space<hbm>>
      %dma_start3A_235 = arith.constant 0 : i32
      %dma_start3A_236 = tpu.memref_slice %arg4[%multiple_of3A_232, %dma_start3A_235] : memref<819200x64xf32, #tpu.memory_space<hbm>> -> memref<256x64xf32, #tpu.memory_space<hbm>>
      tpu.enqueue_dma source(%arg7 : memref<256x64xf32, #tpu.memory_space<vmem>>) target(%dma_start3A_236 : memref<256x64xf32, #tpu.memory_space<hbm>>) target_semaphore(%arg15 : memref<!tpu.dma_semaphore, #tpu.memory_space<semaphore_mem>>)
    }
    %scan3A_9 = arith.constant 25 : i32
    %dma_wait3A = arith.constant 0 : i32
    %dma_wait3A_10 = arith.constant 0 : i32
    %dma_wait3A_11 = tpu.memref_slice %arg4[%dma_wait3A, %dma_wait3A_10] : memref<819200x64xf32, #tpu.memory_space<hbm>> -> memref<256x64xf32, #tpu.memory_space<hbm>>
    %dma_wait3A_12 = arith.constant 0 : i32
    %dma_wait3A_13 = arith.constant 0 : i32
    %dma_wait3A_14 = tpu.memref_slice %arg4[%dma_wait3A_12, %dma_wait3A_13] : memref<819200x64xf32, #tpu.memory_space<hbm>> -> memref<256x64xf32, #tpu.memory_space<hbm>>
    tpu.wait_dma2 semaphore(%arg12 : memref<!tpu.dma_semaphore, #tpu.memory_space<semaphore_mem>>) src(%dma_wait3A_14 : memref<256x64xf32, #tpu.memory_space<hbm>>) dst(%arg8 : memref<256x64xf32, #tpu.memory_space<vmem>>)
    %add3A_15 = arith.constant 25088 : i32
    %add3A_16 = arith.addi %mul3A_2, %add3A_15 : i32
    %multiple_of3A_17 = tpu.assume_multiple %add3A_16, 8 : i32
    %dma_start3A = arith.constant 0 : i32
    %dma_start3A_18 = tpu.memref_slice %arg4[%multiple_of3A_17, %dma_start3A] : memref<819200x64xf32, #tpu.memory_space<hbm>> -> memref<256x64xf32, #tpu.memory_space<hbm>>
    %dma_start3A_19 = arith.constant 0 : i32
    %dma_start3A_20 = tpu.memref_slice %arg4[%multiple_of3A_17, %dma_start3A_19] : memref<819200x64xf32, #tpu.memory_space<hbm>> -> memref<256x64xf32, #tpu.memory_space<hbm>>
    tpu.enqueue_dma source(%arg8 : memref<256x64xf32, #tpu.memory_space<vmem>>) target(%dma_start3A_20 : memref<256x64xf32, #tpu.memory_space<hbm>>) target_semaphore(%arg16 : memref<!tpu.dma_semaphore, #tpu.memory_space<semaphore_mem>>)
    %dma_wait3A_21 = arith.constant 0 : i32
    %dma_wait3A_22 = arith.constant 0 : i32
    %dma_wait3A_23 = tpu.memref_slice %arg4[%dma_wait3A_21, %dma_wait3A_22] : memref<819200x64xf32, #tpu.memory_space<hbm>> -> memref<256x64xf32, #tpu.memory_space<hbm>>
    %dma_wait3A_24 = arith.constant 0 : i32
    %dma_wait3A_25 = arith.constant 0 : i32
    %dma_wait3A_26 = tpu.memref_slice %arg4[%dma_wait3A_24, %dma_wait3A_25] : memref<819200x64xf32, #tpu.memory_space<hbm>> -> memref<256x64xf32, #tpu.memory_space<hbm>>
    tpu.wait_dma2 semaphore(%arg13 : memref<!tpu.dma_semaphore, #tpu.memory_space<semaphore_mem>>) src(%dma_wait3A_26 : memref<256x64xf32, #tpu.memory_space<hbm>>) dst(%arg9 : memref<256x64xf32, #tpu.memory_space<vmem>>)
    %add3A_27 = arith.constant 25344 : i32
    %add3A_28 = arith.addi %mul3A_2, %add3A_27 : i32
    %multiple_of3A_29 = tpu.assume_multiple %add3A_28, 8 : i32
    %dma_start3A_30 = arith.constant 0 : i32
    %dma_start3A_31 = tpu.memref_slice %arg4[%multiple_of3A_29, %dma_start3A_30] : memref<819200x64xf32, #tpu.memory_space<hbm>> -> memref<256x64xf32, #tpu.memory_space<hbm>>
    %dma_start3A_32 = arith.constant 0 : i32
    %dma_start3A_33 = tpu.memref_slice %arg4[%multiple_of3A_29, %dma_start3A_32] : memref<819200x64xf32, #tpu.memory_space<hbm>> -> memref<256x64xf32, #tpu.memory_space<hbm>>
    tpu.enqueue_dma source(%arg9 : memref<256x64xf32, #tpu.memory_space<vmem>>) target(%dma_start3A_33 : memref<256x64xf32, #tpu.memory_space<hbm>>) target_semaphore(%arg17 : memref<!tpu.dma_semaphore, #tpu.memory_space<semaphore_mem>>)
    %dma_wait3A_34 = arith.constant 0 : i32
    %dma_wait3A_35 = arith.constant 0 : i32
    %dma_wait3A_36 = tpu.memref_slice %arg4[%dma_wait3A_34, %dma_wait3A_35] : memref<819200x64xf32, #tpu.memory_space<hbm>> -> memref<256x64xf32, #tpu.memory_space<hbm>>
    %dma_wait3A_37 = arith.constant 0 : i32
    %dma_wait3A_38 = arith.constant 0 : i32
    %dma_wait3A_39 = tpu.memref_slice %arg4[%dma_wait3A_37, %dma_wait3A_38] : memref<819200x64xf32, #tpu.memory_space<hbm>> -> memref<256x64xf32, #tpu.memory_space<hbm>>
    tpu.wait_dma2 semaphore(%arg14 : memref<!tpu.dma_semaphore, #tpu.memory_space<semaphore_mem>>) src(%dma_wait3A_39 : memref<256x64xf32, #tpu.memory_space<hbm>>) dst(%arg6 : memref<256x64xf32, #tpu.memory_space<vmem>>)
    %dma_wait3A_40 = arith.constant 0 : i32
    %dma_wait3A_41 = arith.constant 0 : i32
    %dma_wait3A_42 = tpu.memref_slice %arg4[%dma_wait3A_40, %dma_wait3A_41] : memref<819200x64xf32, #tpu.memory_space<hbm>> -> memref<256x64xf32, #tpu.memory_space<hbm>>
    %dma_wait3A_43 = arith.constant 0 : i32
    %dma_wait3A_44 = arith.constant 0 : i32
    %dma_wait3A_45 = tpu.memref_slice %arg4[%dma_wait3A_43, %dma_wait3A_44] : memref<819200x64xf32, #tpu.memory_space<hbm>> -> memref<256x64xf32, #tpu.memory_space<hbm>>
    tpu.wait_dma2 semaphore(%arg15 : memref<!tpu.dma_semaphore, #tpu.memory_space<semaphore_mem>>) src(%dma_wait3A_45 : memref<256x64xf32, #tpu.memory_space<hbm>>) dst(%arg7 : memref<256x64xf32, #tpu.memory_space<vmem>>)
    %dma_wait3A_46 = arith.constant 0 : i32
    %dma_wait3A_47 = arith.constant 0 : i32
    %dma_wait3A_48 = tpu.memref_slice %arg4[%dma_wait3A_46, %dma_wait3A_47] : memref<819200x64xf32, #tpu.memory_space<hbm>> -> memref<256x64xf32, #tpu.memory_space<hbm>>
    %dma_wait3A_49 = arith.constant 0 : i32
    %dma_wait3A_50 = arith.constant 0 : i32
    %dma_wait3A_51 = tpu.memref_slice %arg4[%dma_wait3A_49, %dma_wait3A_50] : memref<819200x64xf32, #tpu.memory_space<hbm>> -> memref<256x64xf32, #tpu.memory_space<hbm>>
    tpu.wait_dma2 semaphore(%arg16 : memref<!tpu.dma_semaphore, #tpu.memory_space<semaphore_mem>>) src(%dma_wait3A_51 : memref<256x64xf32, #tpu.memory_space<hbm>>) dst(%arg8 : memref<256x64xf32, #tpu.memory_space<vmem>>)
    %dma_wait3A_52 = arith.constant 0 : i32
    %dma_wait3A_53 = arith.constant 0 : i32
    %dma_wait3A_54 = tpu.memref_slice %arg4[%dma_wait3A_52, %dma_wait3A_53] : memref<819200x64xf32, #tpu.memory_space<hbm>> -> memref<256x64xf32, #tpu.memory_space<hbm>>
    %dma_wait3A_55 = arith.constant 0 : i32
    %dma_wait3A_56 = arith.constant 0 : i32
    %dma_wait3A_57 = tpu.memref_slice %arg4[%dma_wait3A_55, %dma_wait3A_56] : memref<819200x64xf32, #tpu.memory_space<hbm>> -> memref<256x64xf32, #tpu.memory_space<hbm>>
    tpu.wait_dma2 semaphore(%arg17 : memref<!tpu.dma_semaphore, #tpu.memory_space<semaphore_mem>>) src(%dma_wait3A_57 : memref<256x64xf32, #tpu.memory_space<hbm>>) dst(%arg9 : memref<256x64xf32, #tpu.memory_space<vmem>>)
    return
  }
}

module attributes {stable_mosaic.version = 14 : i64} {
  func.func @body(%arg0: i32, %arg1: memref<64x2048xf32, #tpu.memory_space<vmem>>, %arg2: memref<2048x64xf32, #tpu.memory_space<vmem>>) attributes {dimension_semantics = [#tpu.dimension_semantics<arbitrary>], iteration_bounds = array<i64: 489>, scalar_prefetch = 0 : i64, scratch_operands = 0 : i64, tpu.core_type = #tpu.core_type<tc>, window_params = [{transform_indices = @transform_0, window_bounds = array<i64: 64, 2048>}, {transform_indices = @transform_1, window_bounds = array<i64: 2048, 64>}]} {
    %get3A = arith.constant 0 : index
    %get3A_0 = arith.constant 0 : index
    %get3A_1 = vector.load %arg1[%get3A, %get3A_0] : memref<64x2048xf32, #tpu.memory_space<vmem>>, vector<64x2048xf32>
    %transpose3A = tpu.transpose %get3A_1, [1, 0] : vector<64x2048xf32> -> vector<2048x64xf32>
    %swap3A = arith.constant 0 : index
    %swap3A_2 = arith.constant 0 : index
    %swap3A_3 = vector.load %arg2[%swap3A, %swap3A_2] : memref<2048x64xf32, #tpu.memory_space<vmem>>, vector<2048x64xf32>
    tpu.vector_store %arg2[%swap3A, %swap3A_2], %transpose3A {strides = array<i32>} : memref<2048x64xf32, #tpu.memory_space<vmem>>, vector<2048x64xf32>,
    return
  }
  func.func @transform_0(%arg0: i32) -> (i32, i32) {
    %c0_i32 = arith.constant 0 : i32
    %c0_i32_0 = arith.constant 0 : i32
    return %c0_i32, %arg0 : i32, i32
  }
  func.func @transform_1(%arg0: i32) -> (i32, i32) {
    %c0_i32 = arith.constant 0 : i32
    %c0_i32_0 = arith.constant 0 : i32
    return %arg0, %c0_i32 : i32, i32
  }
}

</mosaic_0001>

<sc_bundles>
// kernel: kernel.4.cloned.1.call-start
scs
__scs_entry_jumppad:
0x0: {  	(pc) =	sbr.rel $0x88, $3  }
0x1: {  	(tag) =	ssettag $0x0;
	lr =	simm.s32 $0x1  }
0x2: {  	[smem:$0x3F9F] =	sst lr;
	_ =	strace $0xD0000000  }
0x3: {  	_ = 	snop  }
0x4: {  	_ = 	snop  }
0x5: {  	_ = 	snop  }
0x6: {  	_ = 	snop  }
0x7: {  	_ = 	snop  }
__scs_overlays_trampoline_lowered:
0x8: {  	[smem:$0x3FAE] =	sst s0  }
0x9: {  	[smem:$0x3FAF] =	sst s1  }
0xa: {  	[smem:$0x3FB0] =	sst s2  }
0xb: {  	[smem:$0x3FB1] =	sst s3  }
0xc: {  	[smem:$0x3FB2] =	sst s4  }
0xd: {  	[smem:$0x3FB3] =	sst s5  }
0xe: {  	[smem:$0x3FB4] =	sst s6  }
0xf: {  	[smem:$0x3FB5] =	sst s7  }
0x10: {  	[smem:$0x3FB6] =	sst s8  }
0x11: {  	[smem:$0x3FB7] =	sst s9;
	s0 =	simm.s32 @!p0 $0x0  }
0x12: {  	s1 =	sld [smem:$0x3F9D];
	s0 =	simm.s32 @p0 $0x1  }
0x13: {  	[smem:$0x3FB8] =	sst s0;
	s0 =	simm.s32 @!p1 $0x0  }
0x14: {  	s2 =	sld [smem:$0x3F9C];
	s0 =	simm.s32 @p1 $0x1  }
0x15: {  	[smem:$0x3FB9] =	sst s0;
	s0 =	simm.s32 @!p2 $0x0  }
0x16: {  	s3 =	sld [smem:$0x3FDB];
	s0 =	simm.s32 @p2 $0x1  }
0x17: {  	s4 =	simm.s32 $0x1BF5;
	[smem:$0x3FBB] =	sst s0  }
0x18: {  	s0 =	sld [smem:$0x3F9E];
	_ =	swait.ge [sflag:s4], $0x0  }
0x19: {  	s7 =	sld [smem:$0x3F9F]  }
0x1a: {  	s8 =	sadd.s32 $0xFFFFE003, lr  }
0x1b: {  	s9 =	sadd.s32 $0xFFFFFEF7, lr;
	s5 =	simm.s32 $0xFFFFFFFF;
	p2 =	slt.u32 s8, $0xFFFFF086  }
0x1c: {  	p1 =	slt.u32 s9, $0xF7A;
	s5 =	simm.s32 @!p2 $0x0  }
0x1d: {  	s5 =	simm.s32 @p1 $0x1;
	p0 =	seq.s32 s7, s2  }
0x1e: {  	s7 =	smul.u32 @!p0 $0xF7A, s2;
	p2 =	seq.s32 @!p0 s5, $0x0  }
0x1f: {  	s9 =	smul.u32 $0xF7A, s1;
	s8 =	simm.s32 @!p0 $0x1BF5;
	p2 =	por !p2, p0  }
0x20: {  	[sflag:s8] =	ssyncset.s32 @!p0 $0xFFFFF086;
	s6 =	sadd.s32 @!p0 s3, s7;
	s7 =	simm.s32 @!p0 $0x108  }
0x21: {  	s3 =	sadd.s32 s3, s9;
	s6 =	sadd.s32 @!p0 $0x88, s6;
	s7 =	simm.s32 @p2 $0x1082  }
0x22: {  	[simem:s7], [sflag:s8] =	dma.local @!p0 [hbm:s6], $0xF7A  }
0x23: {  	s9 =	sor.u32 $0xD0000000, s2;
	s6 =	simm.s32 $0x108;
	_ =	swait.ge @!p0 [sflag:s8], $0x0  }
0x24: {  	s3 =	sadd.s32 $0x88, s3;
	s6 =	simm.s32 @!p1 $0x1082;
	[sflag:s4] =	ssyncset.s32 $0xFFFFF086  }
0x25: {  	[simem:s6], [sflag:s4] =	dma.local [hbm:s3], $0xF7A  }
0x26: {  	[smem:$0x3F9F] =	sst s1;
	(tag) =	ssettag s2;
	_ =	strace s9  }
0x27: {  	s1 =	sld [smem:$0x3FAF]  }
0x28: {  	s2 =	sld [smem:$0x3FB0]  }
0x29: {  	s4 =	sld [smem:$0x3FB2]  }
0x2a: {  	p0 =	seq.s32 s5, $0x0;
	s5 =	sld [smem:$0x3FB3]  }
0x2b: {  	s6 =	sld [smem:$0x3FB4]  }
0x2c: {  	s7 =	sld [smem:$0x3FB5]  }
0x2d: {  	s3 =	simm.s32 $0x108;
	s8 =	sld [smem:$0x3FB6]  }
0x2e: {  	s3 =	simm.s32 @!p0 $0x1082;
	s9 =	sld [smem:$0x3FB7]  }
0x2f: {  	lr =	sadd.s32 s0, s3;
	s0 =	sld [smem:$0x3FAE]  }
0x30: {  	s3 =	sld [smem:$0x3FB1]  }
0x31: {  	[smem:$0x3FBA] =	sst s10  }
0x32: {  	s10 =	sld [smem:$0x3FB8];
	_ =	sdelay $0x3  }
0x33: {  	p0 =	seq.s32 s10, $0x1;
	s10 =	sld [smem:$0x3FBA];
	_ =	sdelay $0x3  }
0x34: {  	[smem:$0x3FBA] =	sst s10  }
0x35: {  	s10 =	sld [smem:$0x3FB9];
	_ =	sdelay $0x3  }
0x36: {  	p1 =	seq.s32 s10, $0x1;
	s10 =	sld [smem:$0x3FBA];
	_ =	sdelay $0x3  }
0x37: {  	[smem:$0x3FBA] =	sst s10  }
0x38: {  	s10 =	sld [smem:$0x3FBB]  }
0x39: {  	_ = 	snop;
	(pc) =	sbr.ind lr, $3  }
0x3a: {  	_ = 	snop  }
0x3b: {  	_ = 	snop  }
0x3c: {  	p2 =	seq.s32 s10, $0x1;
	s10 =	sld [smem:$0x3FBA]  }
0x3d: {  	_ =	shalt  }
0x3e: {  	_ =	shalt  }
0x3f: {  	_ =	shalt  }
0x40: {  	_ =	shalt  }
0x41: {  	_ =	shalt  }
0x42: {  	_ =	shalt  }
0x43: {  	_ =	shalt  }
0x44: {  	_ =	shalt  }
0x45: {  	_ =	shalt  }
0x46: {  	_ =	shalt  }
0x47: {  	_ =	shalt  }
0x48: {  	_ =	shalt  }
0x49: {  	_ =	shalt  }
0x4a: {  	_ =	shalt  }
0x4b: {  	_ =	shalt  }
0x4c: {  	_ =	shalt  }
0x4d: {  	_ =	shalt  }
0x4e: {  	_ =	shalt  }
0x4f: {  	_ =	shalt  }
0x50: {  	_ =	shalt  }
0x51: {  	_ =	shalt  }
0x52: {  	_ =	shalt  }
0x53: {  	_ =	shalt  }
0x54: {  	_ =	shalt  }
0x55: {  	_ =	shalt  }
0x56: {  	_ =	shalt  }
0x57: {  	_ =	shalt  }
0x58: {  	_ =	shalt  }
0x59: {  	_ =	shalt  }
0x5a: {  	_ =	shalt  }
0x5b: {  	_ =	shalt  }
0x5c: {  	_ =	shalt  }
0x5d: {  	_ =	shalt  }
0x5e: {  	_ =	shalt  }
0x5f: {  	_ =	shalt  }
0x60: {  	_ =	shalt  }
0x61: {  	_ =	shalt  }
0x62: {  	_ =	shalt  }
0x63: {  	_ =	shalt  }
0x64: {  	_ =	shalt  }
0x65: {  	_ =	shalt  }
0x66: {  	_ =	shalt  }
0x67: {  	_ =	shalt  }
0x68: {  	_ =	shalt  }
0x69: {  	_ =	shalt  }
0x6a: {  	_ =	shalt  }
0x6b: {  	_ =	shalt  }
0x6c: {  	_ =	shalt  }
0x6d: {  	_ =	shalt  }
0x6e: {  	_ =	shalt  }
0x6f: {  	_ =	shalt  }
0x70: {  	_ =	shalt  }
0x71: {  	_ =	shalt  }
0x72: {  	_ =	shalt  }
0x73: {  	_ =	shalt  }
0x74: {  	_ =	shalt  }
0x75: {  	_ =	shalt  }
0x76: {  	_ =	shalt  }
0x77: {  	_ =	shalt  }
0x78: {  	_ =	shalt  }
0x79: {  	_ =	shalt  }
0x7a: {  	_ =	shalt  }
0x7b: {  	_ =	shalt  }
0x7c: {  	_ =	shalt  }
0x7d: {  	_ =	shalt  }
0x7e: {  	_ =	shalt  }
0x7f: {  	_ =	shalt  }
0x80: {  	_ =	shalt  }
0x81: {  	_ =	shalt  }
0x82: {  	_ =	shalt  }
0x83: {  	_ =	shalt  }
0x84: {  	_ =	shalt  }
0x85: {  	_ =	shalt  }
0x86: {  	_ =	shalt  }
0x87: {  	_ =	shalt  }
.Lfunc_end0:
.L_simem_size_0:
called_computation.1_lowered:
.L_overlay_start_0:
0x88: {  	s2 =	sld [smem:$0x3FD9]  }
0x89: {  	s3 =	sld [smem:$0x3FFE];
	_ =	sdelay $0x1  }
0x8a: {  	s1 =	srdreg.scid  }
0x8b: {  	s0 =	sand.u32 $0x1, s1  }
0x8c: {  	s17 =	sshll.u32 s0, $0xA;
	s2 =	sadd.s32 s3, s2  }
0x8d: {  	s2 =	sadd.s32 s2, s17  }
0x8e: {  	[smem:$0x3FC6] =	sst s2  }
0x8f: {  	_ = 	snop  }
0x90: {  	s2 =	sld [smem:$0x3FD0];
	(tm) =	ssettm $0x1  }
0x91: {  	s18 =	sld [smem:$0x3FFB];
	_ =	sdelay $0x3  }
0x92: {  	_ =	strace s18  }
0x93: {  	s3 =	sld [smem:$0x3FFC];
	_ =	sdelay $0x3  }
0x94: {  	_ =	strace s3  }
0x95: {  	s3 =	sld [smem:$0x3FFD];
	_ =	sdelay $0x3  }
0x96: {  	_ =	strace s3  }
0x97: {  	_ =	strace $0x8FFFFFFF  }
0x98: {  	s19 =	sld [smem:$0x3FDB];
	_ =	sdelay $0x1  }
0x99: {  	s4 =	simm.s32 $_scs_section_size  }
0x9a: {  	s5 =	simm.s32 $_size__tile_overlayer_lowered;
	s6 =	simm.s32 $_tile_overlayer_lowered  }
0x9b: {  	s22 =	simm.s32 $0x1BFF;
	s21 =	sshll.u32 s6, $0x1;
	s3 =	sadd.s32 s4, s19  }
0x9c: {  	s7 =	simm.s32 $0x0;
	s20 =	sshll.u32 s5, $0x1;
	s5 =	sadd.s32 s21, s3  }
0x9d: {  	[timem:s7], [sflag:s22] =	dma.local [hbm:s5], s20  }
0x9e: {  	_ =	swait.ge [sflag:s22], s20  }
0x9f: {  	s4 =	ssub.s32 $0x0, s20;
	[sflag:s22] =	ssyncset.done $0x0  }
0xa0: {  	[sflag:s22] =	ssyncadd.s32 s4;
	_ =	sdelay $0x1  }
0xa1: {  	s23 =	simm.s32 $0x1B8B  }
0xa2: {  	_ =	swait.ge [sflag:s23], $0x1  }
0xa3: {  	[sflag:s23] =	ssyncset.done $0x0  }
0xa4: {  	s25 =	simm.s32 $0x1B8E;
	s24 =	sld [smem:$0x3FFE];
	[sflag:s23] =	ssyncadd.s32 $0xFFFFFFFF  }
0xa5: {  	s26 =	simm.s32 $execute0_lowered;
	[smem:$0x3FD2] =	sst s25  }
0xa6: {  	s5 =	sshll.u32 s26, $0x1;
	_ =	strace $0x80000046;
	[dreg:$0x1] =	wrdreg $0xFFFFFFFF  }
0xa7: {  	s28 =	simm.s32 $_size_execute0_lowered;
	s3 =	sadd.s32 s3, s5;
	[dreg:$0x0] =	wrdreg $0x0  }
0xa8: {  	s5 =	sshll.u32 s28, $0x1;
	[dreg:$0x2] =	wrdreg s3  }
0xa9: {  	[dreg:$0x3] =	wrdreg s5  }
0xaa: {  	[dreg:$0x4] =	wrdreg $0xC0  }
0xab: {  	_ =	task [dreg:s7], $0x5FFFF  }
0xac: {  	[dreg:$0x1] =	wrdreg $0xFFFFFFFF  }
0xad: {  	[dreg:$0x0] =	wrdreg $0x60  }
0xae: {  	[dreg:$0x2] =	wrdreg s24  }
0xaf: {  	[dreg:$0x3] =	wrdreg s2  }
0xb0: {  	[dreg:$0x4] =	wrdreg $0x9  }
0xb1: {  	_ =	task.clear_ibuf [dreg:s7], $0x5FFFF;
	_ =	strace $0x90000046  }
0xb2: {  	s29 =	simm.s32 $0x9;
	_ =	strace $0x80000048  }
0xb3: {  	_ =	swait.ge [sflag:s29], $0x1  }
0xb4: {  	[sflag:s29] =	ssyncadd.s32 $0xFFFFFFFF  }
0xb5: {  	_ =	strace $0x90000048  }
0xb6: {  	_ =	sfence  }
0xb7: {  	s30 =	sld [smem:$0x0];
	_ =	sdelay $0x2  }
0xb8: {  	s31 =	sshll.u32 s1, $0xD;
	s1 =	sshrl.u32 s1, $0x2  }
0xb9: {  	s3 =	sand.u32 $0x4000, s31;
	s1 =	sadd.s32 s1, s30  }
0xba: {  	s0 =	sor.u32 s3, s0;
	s1 =	sshll.u32 s1, $0x11  }
0xbb: {  	s0 =	sor.u32 s1, s0  }
0xbc: {  	s0 =	sadd.s32 $0x8F2B, s0  }
0xbd: {  	[sflag:s0] =	ssyncadd.remote.s32 $0x1  }
0xbe: {  	_ =	sfence.sel $0xFFFF  }
0xbf: {  	[dreg:$0x0] =	wrdreg $0xFFFFFFFF;
	(pc) =	sbr.abs _section_cstart, $3  }
0xc0: {  	[dreg:$0x1] =	wrdreg $0xFFFFFFFF  }
0xc1: {  	_ =	task.clear_ibuf [dreg:s7], $0x2FFFF;
	_ =	strace $0x9FFFFFFF  }
0xc2: {  	(tm) =	ssettm $0x7FFFFFFF  }
0xc3: {  	_ =	shalt  }
tec
execute0_lowered:
.L_overlay_start_1:
0x0: {  	(tag) =	ssettag $0x1  }
0x1: {  	s0 =	rddreg [dreg:$0x0];
	s1 =	srdreg.scid  }
0x2: {  	s8 =	stileid.u32;
	s2 =	rddreg [dreg:$0x1];
	s3 =	simm.s32 $0x0  }
0x3: {  	s13 =	simm.s32 $0x80;
	s28 =	simm.s32 $0x10400;
	s14 =	simm.s32 $0xE400  }
0x4: {  	s29 =	simm.s32 $0x6400;
	s15 =	simm.s32 $0x1;
	s30 =	simm.s32 $0x14400  }
0x5: {  	s16 =	simm.s32 $0x12400;
	s31 =	simm.s32 $0xA400;
	s17 =	simm.s32 $0x2  }
0x6: {  	s1 =	sand.u32 $0x1, s1;
	s4 =	sshll.u32 s8, $0x1;
	s7 =	smul.u32 $0x64000, s8  }
0x7: {  	[smem:$0x7FF] =	sst s3;
	s8 =	smul.u32 $0x320000, s8;
	s4 =	sor.u32 s1, s4  }
0x8: {  	_ =	strace $0x80000047;
	s11 =	smul.u32 $0x190000, s1;
	[dreg:$0x3] =	wrdreg s28  }
0x9: {  	s22 =	ssub.s32 $0x2, s1;
	s1 =	smul.u32 $0x32000, s1;
	[dreg:$0x4] =	wrdreg s29  }
0xa: {  	s5 =	sadd.s32 $0xF42E00, s0;
	[dreg:$0x5] =	wrdreg s30;
	s6 =	smul.u32 $0xC80, s4  }
0xb: {  	[dreg:$0x6] =	wrdreg s31;
	s4 =	smul.u32 $0x190000, s4;
	s9 =	sshrl.u32 s22, $0x1  }
0xc: {  	s25 =	sadd.s32 s11, s8;
	s1 =	sadd.s32 s1, s7;
	s0 =	sadd.s32 s6, s0  }
0xd: {  	s10 =	sshrl.u32 s4, $0x3;
	s6 =	ssub.s32 s22, s9;
	s0 =	sadd.s32 $0xA00, s0  }
0xe: {  	s23 =	sadd.s32 s2, s10;
	s6 =	smax.u32 s6, $0x1;
	[dreg:$0x7] =	wrdreg s0  }
0xf: {  	s10 =	sadd.s32 $0x1FFFF800, s1;
	s24 =	sadd.s32 $0x31000, s23;
	[dreg:$0xa] =	wrdreg s6  }
0x10: {  	s26 =	sadd.s32 $0x31800, s23;
	s0 =	sshrl.u32 s25, $0x3;
	[dreg:$0x8] =	wrdreg s24  }
0x11: {  	[dreg:$0x9] =	wrdreg s26;
	s11 =	sadd.s32 s0, s2;
	s24 =	simm.s32 $0x0  }
.LBB2_1:
0x12: {  	s0 =	rddreg [dreg:$0x7];
	s12 =	simm.s32 $0x9  }
0x13: {  	[tilespmem:s3], [sflag:$0x9] =	stream.linear.gather [hbm4b:s0+s3], $0x6400, $0x38;
	[tilespmem:$0x16400] =	vst v63  }
0x14: {  	p1 =	por $0x0, $0x0;
	_ =	swait.ge [sflag:s12], $0x6400  }
0x15: {  	p0 =	por p1, p1;
	[sflag:s12] =	ssyncset.done $0x0  }
0x16: {  	s0 =	simm.s32 @p0 $0x5;
	[sflag:s12] =	ssyncadd.s32 $0xFFFF9C00  }
0x17: {  	_ =	swait.ge @p0 [sflag:s0], $0x4000  }
0x18: {  	s1 =	sadd.s32 @p1 $0xFFFFF800, s10;
	s6 =	simm.s32 @p0 $0x6400;
	[sflag:s0] =	ssyncset.done @p0 $0x0  }
0x19: {  	s7 =	simm.s32 @p0 $0x80;
	[sflag:s0] =	ssyncadd.s32 @p0 $0xFFFFC000;
	s0 =	simm.s32 @p0 $0x0  }
0x1a: {  	[tilespmem:s6], [sflag:$0x1] =	stream.indirect.gather @p0 [hbm4b:s5+s7], $0x40, s0, s7, $0xb8;
	[tilespmem:$0x16400] =	vst v63  }
0x1b: {  	s8 =	simm.s32 @p0 $0x3;
	s0 =	simm.s32 @p0 $0x80;
	s6 =	simm.s32 @p0 $0x8400  }
0x1c: {  	[tilespmem:s6], [sflag:$0x1] =	stream.indirect.gather @p0 [hbm4b:s5+s7], $0x40, s0, s7, $0xb8;
	[tilespmem:$0x16400] =	vst v63  }
0x1d: {  	s0 =	sand.u32 @p1 $0x1FFFF000, s1;
	_ =	swait.ge @p0 [sflag:s8], $0x4000  }
0x1e: {  	s1 =	simm.s32 @p0 $0x6;
	s6 =	simm.s32 @p0 $0x0;
	[sflag:s8] =	ssyncset.done @p0 $0x0  }
0x1f: {  	s0 =	sadd.s32 @p1 s2, s0;
	[sflag:s8] =	ssyncadd.s32 @p0 $0xFFFFC000;
	s8 =	simm.s32 @p0 $0xE400  }
0x20: {  	[hbm4b:s0+s6] =	stream.linear.scatter @p0 [tilespmem:s8], [sflag:$0x7], $0x4000, $0x38;
	[tilespmem:$0x16400] =	vst v63  }
0x21: {  	_ =	swait.ge @p0 [sflag:s1], $0x4000  }
0x22: {  	s25 =	simm.s32 $0x1000;
	s30 =	simm.s32 $0x2000;
	[sflag:s1] =	ssyncset.done @p0 $0x0  }
0x23: {  	s0 =	simm.s32 @p0 $0x100;
	[sflag:s1] =	ssyncadd.s32 @p0 $0xFFFFC000;
	s1 =	simm.s32 @p0 $0xA400  }
0x24: {  	[tilespmem:s1], [sflag:$0x2] =	stream.indirect.gather @p0 [hbm4b:s5+s7], $0x40, s0, s7, $0xb8;
	[tilespmem:$0x16400] =	vst v63  }
0x25: {  	s8 =	simm.s32 @p0 $0x4;
	s0 =	simm.s32 @p0 $0x180;
	s1 =	simm.s32 @p0 $0xC400  }
0x26: {  	[tilespmem:s1], [sflag:$0x2] =	stream.indirect.gather @p0 [hbm4b:s5+s7], $0x40, s0, s7, $0xb8;
	[tilespmem:$0x16400] =	vst v63  }
0x27: {  	s28 =	sadd.s32 $0x2000, s11;
	s0 =	sand.u32 @p1 $0x1FFFF800, s10;
	_ =	swait.ge @p0 [sflag:s8], $0x4000  }
0x28: {  	s1 =	simm.s32 @p0 $0x12400;
	s7 =	simm.s32 @p0 $0x7;
	[sflag:s8] =	ssyncset.done @p0 $0x0  }
0x29: {  	s0 =	sadd.s32 @p1 s2, s0;
	[sflag:s8] =	ssyncadd.s32 @p0 $0xFFFFC000;
	s8 =	simm.s32 @!p0 $0xA400  }
0x2a: {  	[hbm4b:s0+s6] =	stream.linear.scatter @p0 [tilespmem:s1], [sflag:$0x8], $0x4000, $0x38;
	[tilespmem:$0x16400] =	vst v63  }
0x2b: {  	s0 =	simm.s32 $0x0;
	s1 =	simm.s32 @!p0 $0x6400;
	_ =	swait.ge @p0 [sflag:s7], $0x4000  }
0x2c: {  	s6 =	simm.s32 @!p0 $0x80;
	s0 =	simm.s32 @!p1 $0x0;
	[sflag:s7] =	ssyncset.done @p0 $0x0  }
0x2d: {  	s0 =	sshra.s32 s0, $0x2;
	[sflag:s7] =	ssyncadd.s32 @p0 $0xFFFFC000;
	s7 =	simm.s32 @!p0 $0x0  }
0x2e: {  	[tilespmem:s1], [sflag:$0x1] =	stream.indirect.gather @!p0 [hbm4b:s5+s6], $0x40, s7, s6, $0xb8;
	[tilespmem:$0x16400] =	vst v63  }
0x2f: {  	s19 =	rddreg [dreg:$0x3];
	s18 =	sadd.s32 $0x200, s0;
	s7 =	simm.s32 @!p0 $0x8400  }
0x30: {  	[tilespmem:s7], [sflag:$0x1] =	stream.indirect.gather @!p0 [hbm4b:s5+s6], $0x40, s6, s6, $0xb8;
	[tilespmem:$0x16400] =	vst v63  }
0x31: {  	s21 =	sadd.s32 $0x280, s0;
	s26 =	sadd.s32 $0x300, s0;
	s7 =	simm.s32 @!p0 $0x100  }
0x32: {  	[tilespmem:s8], [sflag:$0x2] =	stream.indirect.gather @!p0 [hbm4b:s5+s6], $0x40, s7, s6, $0xb8;
	[tilespmem:$0x16400] =	vst v63  }
0x33: {  	s0 =	sadd.s32 $0x380, s0;
	s7 =	simm.s32 @!p0 $0x180;
	s8 =	simm.s32 @!p0 $0xC400  }
0x34: {  	[tilespmem:s8], [sflag:$0x2] =	stream.indirect.gather @!p0 [hbm4b:s5+s6], $0x40, s7, s6, $0xb8;
	[tilespmem:$0x16400] =	vst v63  }
0x35: {  	s1 =	simm.s32 $0x4000;
	s7 =	sadd.s32 $0x2000, s10;
	p0 =	por $0x1, $0x1  }
0x36: {  	[tilespmem:s14], [sflag:$0x3] =	stream.indirect.gather [hbm4b:s5+s13], $0x40, s18, s13, $0xb8;
	[tilespmem:$0x16400] =	vst v63  }
0x37: {  	s1 =	simm.s32 @!p1 $0x4000;
	p1 =	por $0x1, $0x1;
	s9 =	sadd.s32 @p0 $0xFFFFF800, s7  }
0x38: {  	[tilespmem:s19], [sflag:$0x3] =	stream.indirect.gather [hbm4b:s5+s13], $0x40, s21, s13, $0xb8;
	[tilespmem:$0x16400] =	vst v63  }
0x39: {  	s1 =	sadd.s32 s4, s1;
	s9 =	sand.u32 @p0 $0x1FFFF000, s9;
	_ =	swait.ge [sflag:s15], $0x4000  }
0x3a: {  	s20 =	sshrl.u32 s1, $0x3;
	s1 =	sadd.s32 @p0 s2, s9;
	[sflag:s15] =	ssyncset.done $0x0  }
0x3b: {  	s9 =	simm.s32 @!p1 $0x8;
	s22 =	rddreg [dreg:$0x4];
	[sflag:s15] =	ssyncadd.s32 $0xFFFFC000  }
0x3c: {  	[hbm4b:s11+s3] =	stream.linear.scatter [tilespmem:s22], [sflag:$0x5], $0x4000, $0x38;
	[tilespmem:$0x16400] =	vst v63  }
0x3d: {  	s6 =	simm.s32 $0x14000;
	s12 =	sand.u32 @p0 $0x1FFFF800, s7;
	_ =	swait.ge @!p1 [sflag:s9], $0x4000  }
0x3e: {  	s6 =	simm.s32 @!p0 $0x4000;
	s29 =	sadd.s32 @p0 s2, s12;
	[sflag:s9] =	ssyncset.done @!p1 $0x0  }
0x3f: {  	s12 =	simm.s32 $0x1000;
	s6 =	sadd.s32 s4, s6;
	[sflag:s9] =	ssyncadd.s32 @!p1 $0xFFFFC000  }
0x40: {  	[tilespmem:s16], [sflag:$0x4] =	stream.indirect.gather [hbm4b:s5+s13], $0x40, s26, s13, $0xb8;
	[tilespmem:$0x16400] =	vst v63  }
0x41: {  	s12 =	simm.s32 @!p0 $0x0;
	s31 =	sshrl.u32 s6, $0x3;
	s23 =	rddreg [dreg:$0x5]  }
0x42: {  	[tilespmem:s23], [sflag:$0x4] =	stream.indirect.gather [hbm4b:s5+s13], $0x40, s0, s13, $0xb8;
	[tilespmem:$0x16400] =	vst v63  }
0x43: {  	p0 =	por p0, p0;
	s6 =	sadd.s32 $0x2000, s7;
	_ =	swait.ge [sflag:s17], $0x4000  }
0x44: {  	s26 =	sshra.s32 s12, $0x2;
	s12 =	sadd.s32 s2, s20;
	[sflag:s17] =	ssyncset.done $0x0  }
0x45: {  	s23 =	simm.s32 $0x24000;
	s9 =	rddreg [dreg:$0x6];
	[sflag:s17] =	ssyncadd.s32 $0xFFFFC000  }
.LBB2_2:
0x46: {  	p1 =	sne.s32 s30, $0x0  }
0x47: {  	s18 =	simm.s32 @p0 $0x5;
	s8 =	smov.u32 s30;
	s7 =	smov.u32 s31  }
0x48: {  	[hbm4b:s12+s3] =	stream.linear.scatter [tilespmem:s9], [sflag:$0x6], $0x4000, $0x38;
	[tilespmem:$0x16400] =	vst v63  }
0x49: {  	s31 =	simm.s32 @p0 $0x6400;
	s19 =	simm.s32 @p0 $0x80;
	_ =	swait.ge @p0 [sflag:s18], $0x4000  }
0x4a: {  	s20 =	simm.s32 @p0 $0x8400;
	s21 =	simm.s32 @p0 $0x3;
	[sflag:s18] =	ssyncset.done @p0 $0x0  }
0x4b: {  	s0 =	smov.u32 s23;
	[sflag:s18] =	ssyncadd.s32 @p0 $0xFFFFC000;
	s18 =	sshra.s32 @p0 s25, $0x2  }
0x4c: {  	[tilespmem:s31], [sflag:$0x1] =	stream.indirect.gather @p0 [hbm4b:s5+s19], $0x40, s18, s19, $0xb8;
	[tilespmem:$0x16400] =	vst v63  }
0x4d: {  	s9 =	sadd.s32 @p1 $0xFFFFF800, s6;
	s0 =	simm.s32 @!p1 $0x4000;
	s31 =	sadd.s32 @p0 $0x80, s18  }
0x4e: {  	[tilespmem:s20], [sflag:$0x1] =	stream.indirect.gather @p0 [hbm4b:s5+s19], $0x40, s31, s19, $0xb8;
	[tilespmem:$0x16400] =	vst v63  }
0x4f: {  	s9 =	sand.u32 @p1 $0x1FFFF000, s9;
	s0 =	sadd.s32 s4, s0;
	_ =	swait.ge @p0 [sflag:s21], $0x4000  }
0x50: {  	s22 =	sadd.s32 @p1 s2, s9;
	s9 =	simm.s32 @p0 $0xE400;
	[sflag:s21] =	ssyncset.done @p0 $0x0  }
0x51: {  	s31 =	simm.s32 @p0 $0x6;
	[sflag:s21] =	ssyncadd.s32 @p0 $0xFFFFC000;
	s21 =	simm.s32 @p0 $0x0  }
0x52: {  	[hbm4b:s1+s21] =	stream.linear.scatter @p0 [tilespmem:s9], [sflag:$0x7], $0x4000, $0x38;
	[tilespmem:$0x16400] =	vst v63  }
0x53: {  	s20 =	sadd.s32 @p0 $0x100, s18;
	s1 =	smov.u32 s8;
	_ =	swait.ge @p0 [sflag:s31], $0x4000  }
0x54: {  	s18 =	sadd.s32 @p0 $0x180, s18;
	s1 =	simm.s32 @!p1 $0x0;
	[sflag:s31] =	ssyncset.done @p0 $0x0  }
0x55: {  	s9 =	sshra.s32 s1, $0x2;
	s1 =	simm.s32 @p0 $0xA400;
	[sflag:s31] =	ssyncadd.s32 @p0 $0xFFFFC000  }
0x56: {  	[tilespmem:s1], [sflag:$0x2] =	stream.indirect.gather @p0 [hbm4b:s5+s19], $0x40, s20, s19, $0xb8;
	[tilespmem:$0x16400] =	vst v63  }
0x57: {  	s31 =	sshrl.u32 s0, $0x3;
	s0 =	simm.s32 @p0 $0xC400;
	s20 =	simm.s32 @p0 $0x4  }
0x58: {  	[tilespmem:s0], [sflag:$0x2] =	stream.indirect.gather @p0 [hbm4b:s5+s19], $0x40, s18, s19, $0xb8;
	[tilespmem:$0x16400] =	vst v63  }
0x59: {  	_ =	swait.ge @p0 [sflag:s20], $0x4000  }
0x5a: {  	s12 =	sand.u32 @p1 $0x1FFFF800, s6;
	[sflag:s20] =	ssyncset.done @p0 $0x0  }
0x5b: {  	s0 =	simm.s32 @p0 $0x12400;
	s18 =	simm.s32 @p0 $0x7;
	[sflag:s20] =	ssyncadd.s32 @p0 $0xFFFFC000  }
0x5c: {  	[hbm4b:s29+s21] =	stream.linear.scatter @p0 [tilespmem:s0], [sflag:$0x8], $0x4000, $0x38;
	[tilespmem:$0x16400] =	vst v63  }
0x5d: {  	s12 =	sadd.s32 @p1 s2, s12;
	_ =	swait.ge @p0 [sflag:s18], $0x4000  }
0x5e: {  	s29 =	smov.u32 s12;
	s0 =	simm.s32 @!p0 $0x6400;
	[sflag:s18] =	ssyncset.done @p0 $0x0  }
0x5f: {  	s12 =	simm.s32 @!p0 $0x80;
	[sflag:s18] =	ssyncadd.s32 @p0 $0xFFFFC000;
	s18 =	simm.s32 @!p0 $0x0  }
0x60: {  	[tilespmem:s0], [sflag:$0x1] =	stream.indirect.gather @!p0 [hbm4b:s5+s12], $0x40, s18, s12, $0xb8;
	[tilespmem:$0x16400] =	vst v63  }
0x61: {  	s0 =	simm.s32 @!p0 $0x8400  }
0x62: {  	[tilespmem:s0], [sflag:$0x1] =	stream.indirect.gather @!p0 [hbm4b:s5+s12], $0x40, s12, s12, $0xb8;
	[tilespmem:$0x16400] =	vst v63  }
0x63: {  	s18 =	simm.s32 @!p0 $0xA400;
	s0 =	simm.s32 @!p0 $0x100  }
0x64: {  	[tilespmem:s18], [sflag:$0x2] =	stream.indirect.gather @!p0 [hbm4b:s5+s12], $0x40, s0, s12, $0xb8;
	[tilespmem:$0x16400] =	vst v63  }
0x65: {  	s0 =	simm.s32 @!p0 $0x180;
	s18 =	simm.s32 @!p0 $0xC400  }
0x66: {  	[tilespmem:s18], [sflag:$0x2] =	stream.indirect.gather @!p0 [hbm4b:s5+s12], $0x40, s0, s12, $0xb8;
	[tilespmem:$0x16400] =	vst v63  }
0x67: {  	s21 =	sadd.s32 $0x200, s26  }
0x68: {  	[tilespmem:s14], [sflag:$0x3] =	stream.indirect.gather [hbm4b:s5+s13], $0x40, s21, s13, $0xb8;
	[tilespmem:$0x16400] =	vst v63  }
0x69: {  	s1 =	smov.u32 s22;
	s22 =	rddreg [dreg:$0x3];
	s18 =	sadd.s32 $0x280, s26  }
0x6a: {  	[tilespmem:s22], [sflag:$0x3] =	stream.indirect.gather [hbm4b:s5+s13], $0x40, s18, s13, $0xb8;
	[tilespmem:$0x16400] =	vst v63  }
0x6b: {  	_ =	swait.ge [sflag:s15], $0x4000  }
0x6c: {  	p0 =	por p1, p1;
	p1 =	seq.s32 s25, $0x0;
	[sflag:s15] =	ssyncset.done $0x0  }
0x6d: {  	s0 =	simm.s32 @!p1 $0x8;
	s19 =	rddreg [dreg:$0x4];
	[sflag:s15] =	ssyncadd.s32 $0xFFFFC000  }
0x6e: {  	[hbm4b:s28+s3] =	stream.linear.scatter [tilespmem:s19], [sflag:$0x5], $0x4000, $0x38;
	[tilespmem:$0x16400] =	vst v63  }
0x6f: {  	_ =	swait.ge @!p1 [sflag:s0], $0x4000  }
0x70: {  	s30 =	sadd.s32 $0x1000, s30;
	s23 =	sadd.s32 $0x10000, s23;
	[sflag:s0] =	ssyncset.done @!p1 $0x0  }
0x71: {  	p2 =	sne.s32 s30, $0x19000;
	s20 =	sadd.s32 $0x300, s26;
	[sflag:s0] =	ssyncadd.s32 @!p1 $0xFFFFC000  }
0x72: {  	[tilespmem:s16], [sflag:$0x4] =	stream.indirect.gather [hbm4b:s5+s13], $0x40, s20, s13, $0xb8;
	[tilespmem:$0x16400] =	vst v63  }
.Ltmp0:
0x73: {  	s22 =	sadd.s32 $0x380, s26;
	s21 =	rddreg [dreg:$0x5];
	(pc) =	sbr.rel @p2 .LBB2_2-.Ltmp0, $4  }
0x74: {  	[tilespmem:s21], [sflag:$0x4] =	stream.indirect.gather [hbm4b:s5+s13], $0x40, s22, s13, $0xb8;
	[tilespmem:$0x16400] =	vst v63  }
0x75: {  	s6 =	sadd.s32 $0x2000, s6;
	s25 =	smov.u32 s8;
	_ =	swait.ge [sflag:s17], $0x4000  }
0x76: {  	s12 =	sadd.s32 s2, s7;
	s26 =	smov.u32 s9;
	[sflag:s17] =	ssyncset.done $0x0  }
0x77: {  	s28 =	sadd.s32 $0x2000, s28;
	s9 =	rddreg [dreg:$0x6];
	[sflag:s17] =	ssyncadd.s32 $0xFFFFC000  }
0x78: {  	s0 =	simm.s32 @p0 $0x5  }
0x79: {  	[hbm4b:s12+s3] =	stream.linear.scatter [tilespmem:s9], [sflag:$0x6], $0x4000, $0x38;
	[tilespmem:$0x16400] =	vst v63  }
0x7a: {  	_ =	swait.ge @p0 [sflag:s0], $0x4000  }
0x7b: {  	s6 =	simm.s32 @p0 $0x6400;
	[sflag:s0] =	ssyncset.done @p0 $0x0  }
0x7c: {  	s7 =	simm.s32 @p0 $0x80;
	[sflag:s0] =	ssyncadd.s32 @p0 $0xFFFFC000;
	s0 =	sshra.s32 @p0 s25, $0x2  }
0x7d: {  	[tilespmem:s6], [sflag:$0x1] =	stream.indirect.gather @p0 [hbm4b:s5+s7], $0x40, s0, s7, $0xb8;
	[tilespmem:$0x16400] =	vst v63  }
0x7e: {  	s8 =	simm.s32 @p0 $0x8400;
	s6 =	sadd.s32 @p0 $0x80, s0  }
0x7f: {  	[tilespmem:s8], [sflag:$0x1] =	stream.indirect.gather @p0 [hbm4b:s5+s7], $0x40, s6, s7, $0xb8;
	[tilespmem:$0x16400] =	vst v63  }
0x80: {  	s6 =	simm.s32 @p0 $0x3  }
0x81: {  	_ =	swait.ge @p0 [sflag:s6], $0x4000  }
0x82: {  	[sflag:s6] =	ssyncset.done @p0 $0x0  }
0x83: {  	s8 =	simm.s32 @p0 $0xE400;
	[sflag:s6] =	ssyncadd.s32 @p0 $0xFFFFC000;
	s6 =	simm.s32 @p0 $0x0  }
0x84: {  	[hbm4b:s1+s6] =	stream.linear.scatter @p0 [tilespmem:s8], [sflag:$0x7], $0x4000, $0x38;
	[tilespmem:$0x16400] =	vst v63  }
0x85: {  	s1 =	simm.s32 @p0 $0x6  }
0x86: {  	_ =	swait.ge @p0 [sflag:s1], $0x4000  }
0x87: {  	[sflag:s1] =	ssyncset.done @p0 $0x0  }
0x88: {  	s8 =	sadd.s32 @p0 $0x100, s0;
	[sflag:s1] =	ssyncadd.s32 @p0 $0xFFFFC000;
	s1 =	simm.s32 @p0 $0xA400  }
0x89: {  	[tilespmem:s1], [sflag:$0x2] =	stream.indirect.gather @p0 [hbm4b:s5+s7], $0x40, s8, s7, $0xb8;
	[tilespmem:$0x16400] =	vst v63  }
0x8a: {  	s0 =	sadd.s32 @p0 $0x180, s0;
	s1 =	simm.s32 @p0 $0xC400  }
0x8b: {  	[tilespmem:s1], [sflag:$0x2] =	stream.indirect.gather @p0 [hbm4b:s5+s7], $0x40, s0, s7, $0xb8;
	[tilespmem:$0x16400] =	vst v63  }
0x8c: {  	s0 =	simm.s32 @p0 $0x4  }
0x8d: {  	_ =	swait.ge @p0 [sflag:s0], $0x4000  }
0x8e: {  	[sflag:s0] =	ssyncset.done @p0 $0x0  }
0x8f: {  	[sflag:s0] =	ssyncadd.s32 @p0 $0xFFFFC000;
	s0 =	simm.s32 @p0 $0x12400  }
0x90: {  	[hbm4b:s29+s6] =	stream.linear.scatter @p0 [tilespmem:s0], [sflag:$0x8], $0x4000, $0x38;
	[tilespmem:$0x16400] =	vst v63  }
0x91: {  	s0 =	simm.s32 @p0 $0x7  }
0x92: {  	_ =	swait.ge @p0 [sflag:s0], $0x4000  }
0x93: {  	s1 =	simm.s32 @!p0 $0x6400;
	[sflag:s0] =	ssyncset.done @p0 $0x0  }
0x94: {  	s6 =	simm.s32 @!p0 $0x0;
	[sflag:s0] =	ssyncadd.s32 @p0 $0xFFFFC000;
	s0 =	simm.s32 @!p0 $0x80  }
0x95: {  	[tilespmem:s1], [sflag:$0x1] =	stream.indirect.gather @!p0 [hbm4b:s5+s0], $0x40, s6, s0, $0xb8;
	[tilespmem:$0x16400] =	vst v63  }
0x96: {  	s1 =	simm.s32 @!p0 $0x8400  }
0x97: {  	[tilespmem:s1], [sflag:$0x1] =	stream.indirect.gather @!p0 [hbm4b:s5+s0], $0x40, s0, s0, $0xb8;
	[tilespmem:$0x16400] =	vst v63  }
0x98: {  	s6 =	simm.s32 @!p0 $0xA400;
	s1 =	simm.s32 @!p0 $0x100  }
0x99: {  	[tilespmem:s6], [sflag:$0x2] =	stream.indirect.gather @!p0 [hbm4b:s5+s0], $0x40, s1, s0, $0xb8;
	[tilespmem:$0x16400] =	vst v63  }
0x9a: {  	s1 =	simm.s32 @!p0 $0x180;
	s6 =	simm.s32 @!p0 $0xC400  }
0x9b: {  	[tilespmem:s6], [sflag:$0x2] =	stream.indirect.gather @!p0 [hbm4b:s5+s0], $0x40, s1, s0, $0xb8;
	[tilespmem:$0x16400] =	vst v63  }
0x9c: {  	s1 =	sadd.s32 $0x200, s26  }
0x9d: {  	[tilespmem:s14], [sflag:$0x3] =	stream.indirect.gather [hbm4b:s5+s13], $0x40, s1, s13, $0xb8;
	[tilespmem:$0x16400] =	vst v63  }
0x9e: {  	s7 =	sadd.s32 $0x280, s26;
	s6 =	rddreg [dreg:$0x3]  }
0x9f: {  	[tilespmem:s6], [sflag:$0x3] =	stream.indirect.gather [hbm4b:s5+s13], $0x40, s7, s13, $0xb8;
	[tilespmem:$0x16400] =	vst v63  }
0xa0: {  	_ =	swait.ge [sflag:s15], $0x4000  }
0xa1: {  	p0 =	seq.s32 s25, $0x0;
	[sflag:s15] =	ssyncset.done $0x0  }
0xa2: {  	s0 =	simm.s32 @!p0 $0x8;
	s8 =	rddreg [dreg:$0x4];
	[sflag:s15] =	ssyncadd.s32 $0xFFFFC000  }
0xa3: {  	[hbm4b:s28+s3] =	stream.linear.scatter [tilespmem:s8], [sflag:$0x5], $0x4000, $0x38;
	[tilespmem:$0x16400] =	vst v63  }
0xa4: {  	_ =	swait.ge @!p0 [sflag:s0], $0x4000  }
0xa5: {  	[sflag:s0] =	ssyncset.done @!p0 $0x0  }
0xa6: {  	s9 =	sadd.s32 $0x300, s26;
	[sflag:s0] =	ssyncadd.s32 @!p0 $0xFFFFC000  }
0xa7: {  	[tilespmem:s16], [sflag:$0x4] =	stream.indirect.gather [hbm4b:s5+s13], $0x40, s9, s13, $0xb8;
	[tilespmem:$0x16400] =	vst v63  }
0xa8: {  	s18 =	sadd.s32 $0x380, s26;
	s12 =	rddreg [dreg:$0x5]  }
0xa9: {  	[tilespmem:s12], [sflag:$0x4] =	stream.indirect.gather [hbm4b:s5+s13], $0x40, s18, s13, $0xb8;
	[tilespmem:$0x16400] =	vst v63  }
0xaa: {  	_ =	swait.ge [sflag:s17], $0x4000  }
0xab: {  	s20 =	sadd.s32 s2, s31;
	[sflag:s17] =	ssyncset.done $0x0  }
0xac: {  	s21 =	simm.s32 $0x3;
	s19 =	rddreg [dreg:$0x6];
	[sflag:s17] =	ssyncadd.s32 $0xFFFFC000  }
0xad: {  	[hbm4b:s20+s3] =	stream.linear.scatter [tilespmem:s19], [sflag:$0x6], $0x4000, $0x38;
	[tilespmem:$0x16400] =	vst v63  }
0xae: {  	_ =	swait.ge [sflag:s21], $0x4000  }
0xaf: {  	[sflag:s21] =	ssyncset.done $0x0  }
0xb0: {  	s23 =	simm.s32 $0x4;
	s22 =	rddreg [dreg:$0x8];
	[sflag:s21] =	ssyncadd.s32 $0xFFFFC000  }
0xb1: {  	[hbm4b:s22+s3] =	stream.linear.scatter [tilespmem:s14], [sflag:$0x7], $0x4000, $0x38;
	[tilespmem:$0x16400] =	vst v63  }
0xb2: {  	_ =	swait.ge [sflag:s23], $0x4000  }
0xb3: {  	[sflag:s23] =	ssyncset.done $0x0  }
0xb4: {  	s26 =	simm.s32 $0x5;
	s25 =	rddreg [dreg:$0x9];
	[sflag:s23] =	ssyncadd.s32 $0xFFFFC000  }
0xb5: {  	[hbm4b:s25+s3] =	stream.linear.scatter [tilespmem:s16], [sflag:$0x8], $0x4000, $0x38;
	[tilespmem:$0x16400] =	vst v63  }
0xb6: {  	_ =	swait.ge [sflag:s26], $0x4000  }
0xb7: {  	[sflag:s26] =	ssyncset.done $0x0  }
0xb8: {  	s28 =	simm.s32 $0x6;
	[sflag:s26] =	ssyncadd.s32 $0xFFFFC000  }
0xb9: {  	_ =	swait.ge [sflag:s28], $0x4000  }
0xba: {  	[sflag:s28] =	ssyncset.done $0x0  }
0xbb: {  	s29 =	simm.s32 $0x7;
	[sflag:s28] =	ssyncadd.s32 $0xFFFFC000  }
0xbc: {  	_ =	swait.ge [sflag:s29], $0x4000  }
0xbd: {  	[sflag:s29] =	ssyncset.done $0x0  }
0xbe: {  	s30 =	simm.s32 $0x8;
	[sflag:s29] =	ssyncadd.s32 $0xFFFFC000  }
0xbf: {  	_ =	swait.ge [sflag:s30], $0x4000  }
0xc0: {  	s24 =	sadd.s32 $0x1, s24;
	s31 =	rddreg [dreg:$0xa]  }
0xc1: {  	p0 =	sne.s32 s24, s31  }
.Ltmp1:
0xc2: {  	_ = 	snop;
	(pc) =	sbr.rel @p0 .LBB2_1-.Ltmp1, $3  }
0xc3: {  	_ =	sdelay $0x1  }
0xc4: {  	[sflag:s30] =	ssyncset.done $0x0  }
0xc5: {  	[sflag:s30] =	ssyncadd.s32 $0xFFFFC000  }
0xc6: {  	_ =	sfence.sel $0x180000  }
0xc7: {  	[bflag:$0x0] =	sbarrier.arrive $0xFFFF  }
0xc8: {  	_ =	strace $0x90000047  }
0xc9: {  	s0 =	stileid.u32;
	[bflag:$0x2] =	sbarrier.arrive $0xFFFF  }
0xca: {  	p0 =	sne.s32 s0, $0x0;
	s0 =	rddreg [dreg:$0x2]  }
0xcb: {  	s0 =	sadd.s32 @!p0 $0x100000, s0  }
0xcc: {  	[sflag:s0] =	ssyncadd.tile.s32 @!p0 $0x1;
	_ =	shalt  }
.Lfunc_end2:
_tile_overlayer_lowered:
.L_overlay_start_2:
0xcd: {  	(tag) =	ssettag $0x2  }
0xce: {  	s0 =	rddreg [dreg:$0x0];
	s2 =	stileid.u32  }
0xcf: {  	s1 =	rddreg [dreg:$0x1];
	p0 =	sne.s32 s2, $0x0  }
0xd0: {  	s3 =	rddreg [dreg:$0x2];
	[bflag:$0x3] =	sbarrier.arrive $0xFFFF;
	s2 =	simm.s32 @!p0 $0x1C09  }
0xd1: {  	[timem:s3], [sflag:s2] =	dma.local @!p0 [hbm:s0], s1  }
0xd2: {  	s0 =	simm.s32 @!p0 $0x9  }
0xd3: {  	_ =	swait.ge @!p0 [sflag:s0], s1  }
0xd4: {  	s1 =	ssub.s32 @!p0 $0x0, s1;
	[sflag:s0] =	ssyncset.done @!p0 $0x0  }
0xd5: {  	[sflag:s0] =	ssyncadd.s32 @!p0 s1  }
0xd6: {  	[bflag:$0x3] =	sbarrier.arrive $0xFFFF  }
0xd7: {  	_ =	shalt  }

// kernel: sparse-core-data-format-call.cloned.1.call-start
scs
called_computation_lowered:
.L_overlay_start_0:
0x0: {  	s2 =	sld [smem:$0x3FD9]  }
0x1: {  	s3 =	sld [smem:$0x3FFE];
	_ =	sdelay $0x1  }
0x2: {  	s1 =	srdreg.scid  }
0x3: {  	s0 =	sand.u32 $0x1, s1  }
0x4: {  	s18 =	sshll.u32 s0, $0xA;
	s2 =	sadd.s32 s3, s2  }
0x5: {  	s2 =	sadd.s32 s2, s18  }
0x6: {  	[smem:$0x3FC6] =	sst s2  }
0x7: {  	_ = 	snop  }
0x8: {  	s2 =	sld [smem:$0x3FD0];
	(tm) =	ssettm $0x1  }
0x9: {  	s19 =	sld [smem:$0x3FFB];
	_ =	sdelay $0x3  }
0xa: {  	_ =	strace s19  }
0xb: {  	s3 =	sld [smem:$0x3FFC];
	_ =	sdelay $0x3  }
0xc: {  	_ =	strace s3  }
0xd: {  	s3 =	sld [smem:$0x3FFD];
	_ =	sdelay $0x3  }
0xe: {  	_ =	strace s3  }
0xf: {  	_ =	strace $0x8FFFFFFF  }
0x10: {  	s20 =	sld [smem:$0x3FDB];
	_ =	sdelay $0x1  }
0x11: {  	s4 =	simm.s32 $_scs_section_size  }
0x12: {  	s5 =	simm.s32 $_size__tile_overlayer_lowered;
	s6 =	simm.s32 $_tile_overlayer_lowered  }
0x13: {  	s23 =	simm.s32 $0x1BFF;
	s22 =	sshll.u32 s6, $0x1;
	s3 =	sadd.s32 s4, s20  }
0x14: {  	s7 =	simm.s32 $0x0;
	s21 =	sshll.u32 s5, $0x1;
	s5 =	sadd.s32 s22, s3  }
0x15: {  	[timem:s7], [sflag:s23] =	dma.local [hbm:s5], s21  }
0x16: {  	_ =	swait.ge [sflag:s23], s21  }
0x17: {  	s4 =	ssub.s32 $0x0, s21;
	[sflag:s23] =	ssyncset.done $0x0  }
0x18: {  	[sflag:s23] =	ssyncadd.s32 s4;
	_ =	sdelay $0x1  }
0x19: {  	s24 =	simm.s32 $0x1B8B  }
0x1a: {  	_ =	swait.ge [sflag:s24], $0x1  }
0x1b: {  	[sflag:s24] =	ssyncset.done $0x0  }
0x1c: {  	s26 =	simm.s32 $0x1B8E;
	s25 =	sld [smem:$0x3FFE];
	[sflag:s24] =	ssyncadd.s32 $0xFFFFFFFF  }
0x1d: {  	s27 =	simm.s32 $execute0_lowered;
	[smem:$0x3FD2] =	sst s26  }
0x1e: {  	s5 =	sshll.u32 s27, $0x1;
	_ =	strace $0x80000049;
	[dreg:$0x1] =	wrdreg $0xFFFFFFFF  }
0x1f: {  	s28 =	simm.s32 $_size_execute0_lowered;
	s3 =	sadd.s32 s3, s5;
	[dreg:$0x0] =	wrdreg $0x0  }
0x20: {  	s5 =	sshll.u32 s28, $0x1;
	[dreg:$0x2] =	wrdreg s3  }
0x21: {  	[dreg:$0x3] =	wrdreg s5  }
0x22: {  	[dreg:$0x4] =	wrdreg $0xC0  }
0x23: {  	_ =	task [dreg:s7], $0x5FFFF  }
0x24: {  	[dreg:$0x1] =	wrdreg $0xFFFFFFFF  }
0x25: {  	[dreg:$0x0] =	wrdreg $0x60  }
0x26: {  	[dreg:$0x2] =	wrdreg s25  }
0x27: {  	[dreg:$0x3] =	wrdreg s2  }
0x28: {  	[dreg:$0x4] =	wrdreg $0x9  }
0x29: {  	_ =	task.clear_ibuf [dreg:s7], $0x5FFFF;
	_ =	strace $0x90000049  }
0x2a: {  	s29 =	simm.s32 $0x9;
	_ =	strace $0x8000004B  }
0x2b: {  	_ =	swait.ge [sflag:s29], $0x1  }
0x2c: {  	[sflag:s29] =	ssyncadd.s32 $0xFFFFFFFF  }
0x2d: {  	_ =	strace $0x9000004B  }
0x2e: {  	_ =	sfence  }
0x2f: {  	s30 =	sld [smem:$0x0];
	_ =	sdelay $0x2  }
0x30: {  	s31 =	sshll.u32 s1, $0xD;
	s1 =	sshrl.u32 s1, $0x2  }
0x31: {  	s3 =	sand.u32 $0x4000, s31;
	s1 =	sadd.s32 s1, s30  }
0x32: {  	s0 =	sor.u32 s3, s0;
	s1 =	sshll.u32 s1, $0x11  }
0x33: {  	s0 =	sor.u32 s1, s0  }
0x34: {  	s0 =	sadd.s32 $0x8F2B, s0  }
0x35: {  	[sflag:s0] =	ssyncadd.remote.s32 $0x1  }
0x36: {  	_ =	sfence.sel $0xFFFF  }
0x37: {  	[dreg:$0x0] =	wrdreg $0xFFFFFFFF;
	(pc) =	sbr.abs _section_cstart, $3  }
0x38: {  	[dreg:$0x1] =	wrdreg $0xFFFFFFFF  }
0x39: {  	_ =	task.clear_ibuf [dreg:s7], $0x2FFFF;
	_ =	strace $0x9FFFFFFF  }
0x3a: {  	(tm) =	ssettm $0x7FFFFFFF  }
0x3b: {  	_ =	shalt  }
tec
execute0_lowered:
.L_overlay_start_1:
0x0: {  	(tag) =	ssettag $0x1  }
0x1: {  	s0 =	srdreg.scid  }
0x2: {  	s1 =	sshll.u32 s0, $0x4  }
0x3: {  	s0 =	stileid.u32;
	s1 =	sand.u32 $0x10, s1  }
0x4: {  	s1 =	sor.u32 s0, s1  }
0x5: {  	s6 =	rddreg [dreg:$0x0];
	s4 =	simm.s32 $0x1;
	s2 =	sshll.u32 s1, $0x7  }
0x6: {  	s7 =	simm.s32 $0x2;
	s12 =	simm.s32 $0x0;
	s1 =	ssub.s32 $0x1000, s2  }
0x7: {  	s8 =	simm.s32 $0x8000;
	s13 =	simm.s32 $0x0;
	s3 =	sand.u32 $0xF80, s1  }
0x8: {  	s9 =	simm.s32 $0x0;
	s5 =	sshrl.u32 s1, $0xC;
	p0 =	sne.s32 s3, $0x0  }
.Ltmp0:
0x9: {  	s1 =	rddreg [dreg:$0x2];
	s4 =	simm.s32 @!p0 $0x0;
	(pc) =	sbr.rel .LBB1_1-.Ltmp0, $4  }
0xa: {  	s11 =	simm.s32 $0x0;
	s3 =	rddreg [dreg:$0x1];
	s5 =	sadd.s32 s4, s5  }
0xb: {  	_ =	strace $0x8000004A;
	s4 =	simm.s32 $0x1;
	s5 =	smul.u32 $0xC8, s5  }
0xc: {  	s6 =	sadd.s32 $0xA00, s6;
	s10 =	smov.u32 s2;
	[sflag:s4] =	ssyncpa.u1 $0x0  }
0xd: {  	p0 =	por $0x0, $0x0;
	[sflag:s7] =	ssyncpa.u1 $0x0;
	s7 =	sor.u32 $0x1, s5  }
.LBB1_4:
0xe: {  	s16 =	sshll.u32 s13, $0x3;
	s17 =	sand.u32 $0x78, s13  }
0xf: {  	s30 =	sand.u32 $0x7E00, s13;
	s12 =	sshll.u32 s12, $0xF;
	s16 =	sand.u32 $0xC00, s16  }
0x10: {  	[tilespmem:s15+$0x810 ss:$0x81] =	vst.msk $0xffff, v2;
	s31 =	sand.u32 $0x7, s13;
	s16 =	sor.u32 s17, s16;
	s17 =	sadd.s32 s3, s30  }
0x11: {  	[tilespmem:s15+$0x1020 ss:$0x81] =	vst.msk $0xffff, v0;
	s13 =	sshll.u32 s31, $0x12;
	s12 =	sadd.s32 s12, s17;
	s16 =	sshrl.u32 s16, $0x3  }
0x12: {  	[tilespmem:s15+$0x0 ss:$0x81] =	vst.msk $0xffff, v1;
	s13 =	sor.u32 $0x400, s13;
	s12 =	sadd.s32 s16, s12  }
0x13: {  	[hbm4b:s12+s13] =	stream.strided.scatter [tilespmem:s14], [sflag:$0x2], $0x2000, s8, s13, $0x20;
	[tilespmem:$0x8080] =	vst v63  }
.LBB1_5:
0x14: {  	s14 =	sadd.s32 $0x1, s9  }
0x15: {  	s12 =	sadd.s32 $0x1000, s10;
	s16 =	smov.u32 s10;
	p2 =	sgt.s32 s14, $0xC7  }
0x16: {  	s16 =	smov.u32 @p2 s12  }
0x17: {  	s14 =	simm.s32 @p2 $0x0;
	p2 =	sgt.s32 s16, $0xFFF  }
0x18: {  	s16 =	smov.u32 @p2 s2;
	p2 =	sne.s32 s11, s7  }
.Ltmp1:
0x19: {  	p1 =	slt.u32 s11, $0x2;
	(pc) =	sbr.rel @!p2 .LBB1_6-.Ltmp1, $4  }
0x1a: {  	s15 =	simm.s32 @!p1 $0x2  }
0x1b: {  	s13 =	smov.u32 s10;
	p0 =	por !p0, !p0;
	_ =	swait.ge @!p1 [sflag:s15], $0x2000  }
0x1c: {  	s12 =	smov.u32 s9;
	[sflag:s15] =	ssyncset.done @!p1 $0x0;
	s9 =	smov.u32 s14  }
0x1d: {  	s11 =	sadd.s32 $0x1, s11;
	[sflag:s15] =	ssyncadd.s32 @!p1 $0xFFFFE000;
	s10 =	smov.u32 s16  }
.LBB1_1:
0x1e: {  	p1 =	sge.u32 s11, s5  }
0x1f: {  	s14 =	sand.u32 @!p1 $0x1FFFFFF, s9  }
0x20: {  	s15 =	smulhi.u32 @!p1 $0x147AE15, s14;
	_ =	sdelay $0x1  }
0x21: {  	s15 =	smul.u32 @!p1 $0xC8, s15  }
0x22: {  	s16 =	sxor.u32 @!p1 $0xFFFFFFFF, s11;
	s17 =	smul.u32 @!p1 $0xC80, s10  }
0x23: {  	s31 =	sadd.s32 $0xFFFFFFFF, s11;
	s16 =	sshll.u32 @!p1 s16, $0xD;
	s14 =	ssub.s32 @!p1 s14, s15  }
0x24: {  	s15 =	sand.u32 @!p1 $0x2000, s16;
	s16 =	sadd.s32 @!p1 s6, s17;
	s14 =	sshll.u32 @!p1 s14, $0x4  }
0x25: {  	s17 =	simm.s32 @!p1 $0x6400;
	s14 =	sadd.s32 @!p1 s14, s16;
	s16 =	simm.s32 @!p1 $0x40  }
0x26: {  	[tilespmem:s15], [sflag:$0x1] =	stream.strided.gather @!p1 [hbm4b:s14+s16], $0x2000, s17, s16, $0x38;
	[tilespmem:$0x8080] =	vst v63  }
0x27: {  	p1 =	sge.u32 s31, s5  }
.Ltmp2:
0x28: {  	_ = 	snop;
	(pc) =	sbr.rel @p1 .LBB1_5-.Ltmp2, $1  }
0x29: {  	_ =	sdelay $0x3  }
0x2a: {  	s14 =	simm.s32 $0x1  }
0x2b: {  	_ =	swait.ge [sflag:s4], $0x2000;
	s14 =	simm.s32 @!p0 $0x0  }
0x2c: {  	[sflag:s4] =	ssyncset.done $0x0;
	s15 =	sshll.u32 s14, $0xD  }
0x2d: {  	[sflag:s4] =	ssyncadd.s32 $0xFFFFE000;
	s18 =	sor.u32 $0x20, s15  }
0x2e: {  	s14 =	smul.u32 $0x8100, s14;
	v3 =	vld [tilespmem:s18+$0x10]  }
0x2f: {  	s30 =	sand.u32 $0x1, s11;
	v2 =	vld [tilespmem:s18+$0xFFFFFFF0]  }
0x30: {  	s15 =	smul.u32 $0x8100, s30;
	s14 =	sshrl.u32 s14, $0x2;
	v0 =	vld [tilespmem:s18+$0x0]  }
0x31: {  	v1 =	vld [tilespmem:s18+$0xFFFFFFE0];
	s16 =	sor.u32 $0x4000, s14  }
0x32: {  	s31 =	sshrl.u32 s15, $0x2;
	s15 =	sadd.s32 $0x0, s16  }
0x33: {  	s17 =	simm.s32 $0x4;
	s18 =	sadd.s32 $0x40, s18;
	s14 =	sor.u32 $0x4000, s31;
	[tilespmem:s15+$0x1830 ss:$0x81] =	vst.msk $0xffff, v3  }
.LBB1_3:
0x34: {  	v3 =	vld [tilespmem:s18+$0x10];
	p1 =	sne.s32 s17, $0x1FC;
	[tilespmem:s15+$0x810 ss:$0x81] =	vst.msk $0xffff, v2;
	s19 =	smov.u32 s17;
	s17 =	sadd.s32 $0x4, s17  }
.Ltmp3:
0x35: {  	v2 =	vld [tilespmem:s18+$0xFFFFFFF0];
	[tilespmem:s15+$0x1020 ss:$0x81] =	vst.msk $0xffff, v0;
	(pc) =	sbr.rel @p1 .LBB1_3-.Ltmp3, $4  }
0x36: {  	v0 =	vld [tilespmem:s18+$0x0];
	[tilespmem:s15+$0x0 ss:$0x81] =	vst.msk $0xffff, v1  }
0x37: {  	s15 =	sshra.s32 s19, $0x2;
	v1 =	vld [tilespmem:s18+$0xFFFFFFE0]  }
0x38: {  	s15 =	sadd.s32 s15, s16  }
0x39: {  	s18 =	sadd.s32 $0x40, s18;
	[tilespmem:s15+$0x1830 ss:$0x81] =	vst.msk $0xffff, v3  }
.Ltmp4:
0x3a: {  	_ = 	snop;
	(pc) =	sbr.rel .LBB1_4-.Ltmp4, $1  }
0x3b: {  	_ =	sdelay $0x3  }
.LBB1_6:
0x3c: {  	_ =	sfence.sel $0x180000  }
0x3d: {  	s2 =	simm.s32 $0x1;
	[bflag:$0x0] =	sbarrier.arrive $0xFFFF  }
0x3e: {  	s31 =	simm.s32 $0x2;
	[sflag:s2] =	ssyncpa.u1 $0x1  }
0x3f: {  	[sflag:s31] =	ssyncpa.u1 $0x1  }
0x40: {  	p0 =	sne.s32 s0, $0x0;
	_ =	strace $0x9000004A  }
0x41: {  	s0 =	sadd.s32 @!p0 $0x100000, s1;
	[bflag:$0x2] =	sbarrier.arrive $0xFFFF  }
0x42: {  	[sflag:s0] =	ssyncadd.tile.s32 @!p0 $0x1;
	_ =	shalt  }
.Lfunc_end1:
_tile_overlayer_lowered:
.L_overlay_start_2:
0x43: {  	(tag) =	ssettag $0x2  }
0x44: {  	s0 =	rddreg [dreg:$0x0];
	s2 =	stileid.u32  }
0x45: {  	s1 =	rddreg [dreg:$0x1];
	p0 =	sne.s32 s2, $0x0  }
0x46: {  	s3 =	rddreg [dreg:$0x2];
	[bflag:$0x3] =	sbarrier.arrive $0xFFFF;
	s2 =	simm.s32 @!p0 $0x1C01  }
0x47: {  	[timem:s3], [sflag:s2] =	dma.local @!p0 [hbm:s0], s1  }
0x48: {  	s0 =	simm.s32 @!p0 $0x1  }
0x49: {  	_ =	swait.ge @!p0 [sflag:s0], s1  }
0x4a: {  	s1 =	ssub.s32 @!p0 $0x0, s1;
	[sflag:s0] =	ssyncset.done @!p0 $0x0  }
0x4b: {  	[sflag:s0] =	ssyncadd.s32 @!p0 s1  }
0x4c: {  	[bflag:$0x3] =	sbarrier.arrive $0xFFFF  }
0x4d: {  	_ =	shalt  }

</sc_bundles>
